<compile_context>
chip_gen: v7x
topology: tpu7x:2x2x1
jax: 0.10.2.dev20260603
libtpu: 0.0.44.dev20260713+nightly
codegen_flags: <defaults>
</compile_context>

<pallas_src>
import functools

import jax
import jax.numpy as jnp
from jax.experimental import pallas as pl
from jax.experimental.pallas import tpu as pltpu
from jax.experimental.pallas import tpu_sc as plsc

N = 2048
E = 32768
D = 128
L = 3
G = 16
BFS_ITERS = 6
BLK = 256
NBLK = N // BLK

_HIGH = jax.lax.Precision.HIGHEST


def _dot(a, b):
    return jnp.dot(a, b, precision=_HIGH, preferred_element_type=jnp.float32)


def _fused_body(mt_ref, x_ref, gw_ref, gb_ref, w1_ref, b1_ref, w2_ref,
                b2_ref, batch_ref, pos_ref,
                pred_ref, gf_ref, ploss_ref, mani_ref,
                h_ref, t_ref, a_ref):
    h_ref[...] = x_ref[...]
    for l in range(L):
        def blk(b, carry, l=l):
            rows = pl.ds(b * BLK, BLK)
            mtb = mt_ref[rows, :]
            if l == 0:
                a_ref[rows, :] = (mtb > 0.0).astype(jnp.bfloat16)
            aggb = _dot(mtb, h_ref[...])
            degb = jnp.sum(mtb, axis=1, keepdims=True) + 1.0
            t_ref[rows, :] = (h_ref[rows, :] + aggb) / degb
            return carry

        jax.lax.fori_loop(0, NBLK, blk, 0)
        hn = _dot(t_ref[...], gw_ref[l]) + gb_ref[l:l + 1, :]
        if l < L - 1:
            hn = jnp.maximum(hn, 0.0)
        h_ref[...] = hn
    h = h_ref[...]
    bb = jnp.broadcast_to(batch_ref[...], (G, N))
    gi = jax.lax.broadcasted_iota(jnp.int32, (G, N), 0)
    p = (bb == gi).astype(jnp.float32)
    counts = jnp.sum(p, axis=1, keepdims=True)
    gf_ref[...] = _dot(p, h) / jnp.maximum(counts, 1.0)
    t = jnp.maximum(_dot(h, w1_ref[...]) + b1_ref[...], 0.0)
    pred = _dot(t, w2_ref[...]) + b2_ref[...]
    pred_ref[...] = pred
    d = pred - pos_ref[...]
    ploss_ref[...] = (jnp.sum(d * d) * (1.0 / (N * 3))).reshape(1, 1)
    predt = jax.lax.transpose(pred, (1, 0))

    one = jnp.bfloat16(1.0)
    inf = jnp.bfloat16(jnp.inf)

    def build(b, carry):
        base = b * BLK
        ubt_b = jax.lax.transpose(a_ref[:, pl.ds(base, BLK)], (1, 0))
        a_ref[pl.ds(base, BLK), :] = jnp.maximum(
            a_ref[pl.ds(base, BLK), :], ubt_b)
        return carry

    jax.lax.fori_loop(0, NBLK, build, 0)
    a = a_ref[...]

    def block_step(b, acc):
        base = b * BLK
        ii = jax.lax.broadcasted_iota(jnp.int32, (BLK, N), 0) + base
        jj = jax.lax.broadcasted_iota(jnp.int32, (BLK, N), 1)
        eye = ii == jj
        ab = a_ref[pl.ds(base, BLK), :]
        r = jnp.where(eye, one, ab)
        dist = jnp.where(eye, jnp.bfloat16(0.0), jnp.where(ab > 0, one, inf))
        for k in range(2, BFS_ITERS + 1):
            prod = jnp.dot(r, a, preferred_element_type=jnp.float32)
            r = jnp.where(prod > 0.0, one, r)
            dist = jnp.where((r > 0) & (dist == inf),
                             jnp.bfloat16(float(k)), dist)
        d32 = dist.astype(jnp.float32)
        wh = jnp.exp(d32 * -0.5)
        dx = pred_ref[pl.ds(base, BLK), 0:1] - predt[0:1, :]
        dy = pred_ref[pl.ds(base, BLK), 1:2] - predt[1:2, :]
        dz = pred_ref[pl.ds(base, BLK), 2:3] - predt[2:3, :]
        d2 = dx * dx + dy * dy + dz * dz + 1e-12
        wl = jnp.exp(-jnp.sqrt(d2))
        rr = wh - wl
        return acc + jnp.sum(rr * rr)

    acc = jax.lax.fori_loop(0, NBLK, block_step, jnp.zeros((), jnp.float32))
    mani_ref[...] = acc.reshape(1, 1)


def _run_dense(mt, x, gnn_W, gnn_b, mlp_W1, mlp_b1, mlp_W2, mlp_b2,
               batch, pos):
    f32 = jnp.float32
    bf16 = jnp.bfloat16
    pred, gf, ploss, mani = pl.pallas_call(
        _fused_body,
        out_shape=[
            jax.ShapeDtypeStruct((N, 3), f32),
            jax.ShapeDtypeStruct((G, D), f32),
            jax.ShapeDtypeStruct((1, 1), f32),
            jax.ShapeDtypeStruct((1, 1), f32),
        ],
        scratch_shapes=[
            pltpu.VMEM((N, D), f32),
            pltpu.VMEM((N, D), f32),
            pltpu.VMEM((N, N), bf16),
        ],
    )(mt, x, gnn_W, gnn_b, mlp_W1, mlp_b1.reshape(1, D), mlp_W2,
      mlp_b2.reshape(1, 3), batch.reshape(1, N), pos)
    return pred, gf, ploss.reshape(()), mani.reshape(())



_NS = 16
_NC = 2
_NW = _NS * _NC
_PROWS = 32
_NPASS = N // (_NW * _PROWS)
_ECH = 8192
_NECH = E // _ECH


def _edge_scatter_body(edge_ref, out_ref, src_v, dst_v, buf):
    c = jax.lax.axis_index("c")
    s = jax.lax.axis_index("s")
    wid = s * _NC + c

    zv = jnp.zeros((16,), jnp.float32)
    ones = jnp.ones((16,), jnp.float32)

    for p in range(_NPASS):
        base = wid * (_PROWS * _NPASS) + p * _PROWS

        def zrow(i, carry):
            for u in range(8):
                buf[pl.ds(i * 128 + u * 16, 16)] = zv
            return carry

        jax.lax.fori_loop(0, _PROWS * N // 128, zrow, 0)

        for ec in range(_NECH):
            pltpu.sync_copy(edge_ref.at[0, pl.ds(ec * _ECH, _ECH)], src_v)
            pltpu.sync_copy(edge_ref.at[1, pl.ds(ec * _ECH, _ECH)], dst_v)

            def scan(g, carry):
                for u in range(4):
                    o = g * 64 + u * 16
                    vs = src_v[pl.ds(o, 16)]
                    vd = dst_v[pl.ds(o, 16)]
                    m = (vd >= base) & (vd < base + _PROWS)
                    fi = jnp.where(m, (vd - base) * N + vs, 0)
                    plsc.addupdate_scatter(buf, [fi], ones, mask=m)
                return carry

            jax.lax.fori_loop(0, _ECH // 64, scan, 0)

        pltpu.sync_copy(buf, out_ref.at[pl.ds(base * N, _PROWS * N)])


@functools.partial(
    pl.kernel,
    out_type=jax.ShapeDtypeStruct((N * N,), jnp.float32),
    mesh=plsc.VectorSubcoreMesh(core_axis_name="c", subcore_axis_name="s"),
    compiler_params=pltpu.CompilerParams(needs_layout_passes=False),
    scratch_types=[
        pltpu.VMEM((_ECH,), jnp.int32),
        pltpu.VMEM((_ECH,), jnp.int32),
        pltpu.VMEM((_PROWS * N,), jnp.float32),
    ],
)
def _edge_scatter(edge_ref, out_ref, src_v, dst_v, buf):
    _edge_scatter_body(edge_ref, out_ref, src_v, dst_v, buf)


def kernel(x, pos, gnn_W, gnn_b, mlp_W1, mlp_b1, mlp_W2, mlp_b2,
           edge_index, batch):
    mt = _edge_scatter(edge_index).reshape(N, N)
    return _run_dense(mt, x, gnn_W, gnn_b, mlp_W1, mlp_b1, mlp_W2, mlp_b2,
                      batch, pos)

# --- scband reference (transcript-rebuilt; emitter-appended) ---
"""Pipeline reference for scband-gnnencoder-30554397343820 (READ-ONLY COPY).

The authoritative reference and input builder live on the scoring server;
editing this copy changes nothing except your own understanding.
"""

import jax, jax.numpy as jnp
import numpy as np

N = 2048
E = 32768
D = 128
L = 3
G = 16
SIGMA_H = 2.0
SIGMA_L = 1.0
BFS_ITERS = 6


def setup_inputs(seed: int = 0) -> dict:
    key = jax.random.key(seed)
    ks = jax.random.split(key, 10)
    x = jax.random.normal(ks[0], (N, D), dtype=jnp.float32)
    edge_index = jax.random.randint(ks[1], (2, E), 0, N, dtype=jnp.int32)
    batch = jnp.sort(jax.random.randint(ks[2], (N,), 0, G, dtype=jnp.int32))
    pos = jax.random.normal(ks[3], (N, 3), dtype=jnp.float32)
    gnn_W = jax.random.normal(ks[4], (L, D, D), dtype=jnp.float32) * 0.05
    gnn_b = jnp.zeros((L, D), dtype=jnp.float32)
    mlp_W1 = jax.random.normal(ks[5], (D, D), dtype=jnp.float32) * 0.05
    mlp_b1 = jnp.zeros((D,), dtype=jnp.float32)
    mlp_W2 = jax.random.normal(ks[6], (D, 3), dtype=jnp.float32) * 0.05
    mlp_b2 = jnp.zeros((3,), dtype=jnp.float32)
    return {"x": x, "pos": pos, "gnn_W": gnn_W, "gnn_b": gnn_b, "mlp_W1": mlp_W1, "mlp_b1": mlp_b1, "mlp_W2": mlp_W2, "mlp_b2": mlp_b2, "edge_index": edge_index, "batch": batch}


def compute_high_dim_adj(edge_index):
    # unweighted all-pairs shortest path via truncated BFS with dense boolean matmuls
    src, dst = edge_index[0], edge_index[1]
    A = jnp.zeros((N, N), dtype=jnp.float32).at[src, dst].set(1.0)
    A = jnp.maximum(A, A.T)  # undirected
    eye = jnp.eye(N, dtype=jnp.float32)
    dist = jnp.where(eye > 0, 0.0, jnp.where(A > 0, 1.0, jnp.inf))
    reach = jnp.maximum(A, eye)
    for k in range(2, BFS_ITERS + 1):
        reach = ((reach @ A + reach) > 0).astype(jnp.float32)
        dist = jnp.where((reach > 0) & jnp.isinf(dist), float(k), dist)
    return jnp.exp(-dist / SIGMA_H)  # exp(-inf) -> 0 for unreachable


def gnn_node(x, gnn_W, gnn_b, edge_index):
    src, dst = edge_index[0], edge_index[1]
    deg = jnp.zeros((N,), dtype=jnp.float32).at[dst].add(1.0) + 1.0
    h = x
    for l in range(L):
        agg = jnp.zeros_like(h).at[dst].add(h[src])
        h = ((h + agg) / deg[:, None]) @ gnn_W[l] + gnn_b[l]
        if l < L - 1:
            h = jax.nn.relu(h)
    return h


def reference(x, pos, gnn_W, gnn_b, mlp_W1, mlp_b1, mlp_W2, mlp_b2, edge_index, batch):
    node_feat = gnn_node(x, gnn_W, gnn_b, edge_index)
    # global mean pool
    counts = jax.ops.segment_sum(jnp.ones((N,), dtype=jnp.float32), batch, num_segments=G)
    graph_feat = jax.ops.segment_sum(node_feat, batch, num_segments=G) / jnp.maximum(counts, 1.0)[:, None]
    W_H = compute_high_dim_adj(edge_index)
    # MLP to predicted 3D positions
    pred_pos = jax.nn.relu(node_feat @ mlp_W1 + mlp_b1) @ mlp_W2 + mlp_b2
    # low-dim adjacency from predicted positions
    diff = pred_pos[:, None, :] - pred_pos[None, :, :]
    dist = jnp.sqrt(jnp.sum(diff * diff, axis=-1) + 1e-12)
    W_L = jnp.exp(-dist / SIGMA_L)
    pos_loss = jnp.mean((pred_pos - pos) ** 2)
    mani_loss = jnp.sum((W_H - W_L) ** 2)
    return (pred_pos, graph_feat, pos_loss, mani_loss)

if __name__ == "__main__":
    import jax
    _d = setup_inputs()
    print(jax.jit(kernel)(*tuple(_d.values())))

</pallas_src>

<mosaic_0001>
#map = affine_map<(d0, d1) -> (0, 0)>
#map1 = affine_map<(d0, d1) -> (0)>
module attributes {stable_mosaic.version = 14 : i64} {
  func.func @_edge_scatter(%arg0: i32, %arg1: i32, %arg2: memref<2x32768xi32, #tpu.memory_space<hbm>>, %arg3: memref<4194304xf32, #tpu.memory_space<hbm>>, %arg4: memref<8192xi32, #tpu.memory_space<vmem>>, %arg5: memref<8192xi32, #tpu.memory_space<vmem>>, %arg6: memref<65536xf32, #tpu.memory_space<vmem>>) attributes {dimension_semantics = [#tpu.dimension_semantics<core_parallel>, #tpu.dimension_semantics<subcore_parallel>], iteration_bounds = array<i64: 2, 16>, scalar_prefetch = 0 : i64, scratch_operands = 3 : i64, tpu.core_type = #tpu.core_type<sc_vector_subcore>, window_params = [{transform_indices = #map}, {transform_indices = #map1}]} {
    %mul3A = arith.constant 2 : i32
    %mul3A_0 = arith.muli %arg1, %mul3A : i32
    %add3A = arith.addi %mul3A_0, %arg0 : i32
    %broadcast_in_dim3A = arith.constant 0.000000e+00 : f32
    %broadcast_in_dim3A_1 = vector.broadcast %broadcast_in_dim3A : f32 to vector<16xf32>
    %broadcast_in_dim3A_2 = arith.constant 1.000000e+00 : f32
    %broadcast_in_dim3A_3 = vector.broadcast %broadcast_in_dim3A_2 : f32 to vector<16xf32>
    %mul3A_4 = arith.constant 64 : i32
    %mul3A_5 = arith.muli %add3A, %mul3A_4 : i32
    %add3A_6 = arith.constant 0 : i32
    %add3A_7 = arith.addi %mul3A_5, %add3A_6 : i32
    %scan3A = arith.constant 0 : i32
    %scan3A_8 = arith.constant 0 : i32
    %scan3A_9 = arith.constant 512 : i32
    %scan3A_10 = arith.addi %scan3A_8, %scan3A_9 : i32
    %scan3A_11 = arith.constant 1 : i32
    scf.for %scan3A_90 = %scan3A_8 to %scan3A_10 step %scan3A_11  : i32 {
      %mul3A_91 = arith.constant 128 : i32
      %mul3A_92 = arith.muli %scan3A_90, %mul3A_91 : i32
      %add3A_93 = arith.constant 0 : i32
      %add3A_94 = arith.addi %mul3A_92, %add3A_93 : i32
      %swap3A = arith.index_cast %add3A_94 : i32 to index
      %swap3A_95 = tpu.vector_load %arg6[%swap3A] {strides = array<i32>} : memref<65536xf32, #tpu.memory_space<vmem>>, vector<16xf32>,
      tpu.vector_store %arg6[%swap3A], %broadcast_in_dim3A_1 {strides = array<i32>} : memref<65536xf32, #tpu.memory_space<vmem>>, vector<16xf32>,
      %mul3A_96 = arith.constant 128 : i32
      %mul3A_97 = arith.muli %scan3A_90, %mul3A_96 : i32
      %add3A_98 = arith.constant 16 : i32
      %add3A_99 = arith.addi %mul3A_97, %add3A_98 : i32
      %swap3A_100 = arith.index_cast %add3A_99 : i32 to index
      %swap3A_101 = tpu.vector_load %arg6[%swap3A_100] {strides = array<i32>} : memref<65536xf32, #tpu.memory_space<vmem>>, vector<16xf32>,
      tpu.vector_store %arg6[%swap3A_100], %broadcast_in_dim3A_1 {strides = array<i32>} : memref<65536xf32, #tpu.memory_space<vmem>>, vector<16xf32>,
      %mul3A_102 = arith.constant 128 : i32
      %mul3A_103 = arith.muli %scan3A_90, %mul3A_102 : i32
      %add3A_104 = arith.constant 32 : i32
      %add3A_105 = arith.addi %mul3A_103, %add3A_104 : i32
      %swap3A_106 = arith.index_cast %add3A_105 : i32 to index
      %swap3A_107 = tpu.vector_load %arg6[%swap3A_106] {strides = array<i32>} : memref<65536xf32, #tpu.memory_space<vmem>>, vector<16xf32>,
      tpu.vector_store %arg6[%swap3A_106], %broadcast_in_dim3A_1 {strides = array<i32>} : memref<65536xf32, #tpu.memory_space<vmem>>, vector<16xf32>,
      %mul3A_108 = arith.constant 128 : i32
      %mul3A_109 = arith.muli %scan3A_90, %mul3A_108 : i32
      %add3A_110 = arith.constant 48 : i32
      %add3A_111 = arith.addi %mul3A_109, %add3A_110 : i32
      %swap3A_112 = arith.index_cast %add3A_111 : i32 to index
      %swap3A_113 = tpu.vector_load %arg6[%swap3A_112] {strides = array<i32>} : memref<65536xf32, #tpu.memory_space<vmem>>, vector<16xf32>,
      tpu.vector_store %arg6[%swap3A_112], %broadcast_in_dim3A_1 {strides = array<i32>} : memref<65536xf32, #tpu.memory_space<vmem>>, vector<16xf32>,
      %mul3A_114 = arith.constant 128 : i32
      %mul3A_115 = arith.muli %scan3A_90, %mul3A_114 : i32
      %add3A_116 = arith.constant 64 : i32
      %add3A_117 = arith.addi %mul3A_115, %add3A_116 : i32
      %swap3A_118 = arith.index_cast %add3A_117 : i32 to index
      %swap3A_119 = tpu.vector_load %arg6[%swap3A_118] {strides = array<i32>} : memref<65536xf32, #tpu.memory_space<vmem>>, vector<16xf32>,
      tpu.vector_store %arg6[%swap3A_118], %broadcast_in_dim3A_1 {strides = array<i32>} : memref<65536xf32, #tpu.memory_space<vmem>>, vector<16xf32>,
      %mul3A_120 = arith.constant 128 : i32
      %mul3A_121 = arith.muli %scan3A_90, %mul3A_120 : i32
      %add3A_122 = arith.constant 80 : i32
      %add3A_123 = arith.addi %mul3A_121, %add3A_122 : i32
      %swap3A_124 = arith.index_cast %add3A_123 : i32 to index
      %swap3A_125 = tpu.vector_load %arg6[%swap3A_124] {strides = array<i32>} : memref<65536xf32, #tpu.memory_space<vmem>>, vector<16xf32>,
      tpu.vector_store %arg6[%swap3A_124], %broadcast_in_dim3A_1 {strides = array<i32>} : memref<65536xf32, #tpu.memory_space<vmem>>, vector<16xf32>,
      %mul3A_126 = arith.constant 128 : i32
      %mul3A_127 = arith.muli %scan3A_90, %mul3A_126 : i32
      %add3A_128 = arith.constant 96 : i32
      %add3A_129 = arith.addi %mul3A_127, %add3A_128 : i32
      %swap3A_130 = arith.index_cast %add3A_129 : i32 to index
      %swap3A_131 = tpu.vector_load %arg6[%swap3A_130] {strides = array<i32>} : memref<65536xf32, #tpu.memory_space<vmem>>, vector<16xf32>,
      tpu.vector_store %arg6[%swap3A_130], %broadcast_in_dim3A_1 {strides = array<i32>} : memref<65536xf32, #tpu.memory_space<vmem>>, vector<16xf32>,
      %mul3A_132 = arith.constant 128 : i32
      %mul3A_133 = arith.muli %scan3A_90, %mul3A_132 : i32
      %add3A_134 = arith.constant 112 : i32
      %add3A_135 = arith.addi %mul3A_133, %add3A_134 : i32
      %swap3A_136 = arith.index_cast %add3A_135 : i32 to index
      %swap3A_137 = tpu.vector_load %arg6[%swap3A_136] {strides = array<i32>} : memref<65536xf32, #tpu.memory_space<vmem>>, vector<16xf32>,
      tpu.vector_store %arg6[%swap3A_136], %broadcast_in_dim3A_1 {strides = array<i32>} : memref<65536xf32, #tpu.memory_space<vmem>>, vector<16xf32>,
    }
    %scan3A_12 = arith.constant 512 : i32
    %run_scoped3A = arith.constant 0 : i32
    "tpu.region"() ({
      %run_scoped3A_90 = tpu.sem_alloc : memref<!tpu.dma_semaphore, #tpu.memory_space<semaphore_mem>>
      %dma_start3A = arith.constant 0 : i32
      %dma_start3A_91 = tpu.memref_slice %arg2[%run_scoped3A, %dma_start3A] : memref<2x32768xi32, #tpu.memory_space<hbm>> -> memref<1x8192xi32, #tpu.memory_space<hbm>>
      %dma_start3A_92 = tpu.memref_squeeze %dma_start3A_91 : memref<1x8192xi32, #tpu.memory_space<hbm>> -> memref<8192xi32, #tpu.memory_space<hbm>>
      %dma_start3A_93 = arith.constant 0 : i32
      %dma_start3A_94 = tpu.memref_slice %arg2[%run_scoped3A, %dma_start3A_93] : memref<2x32768xi32, #tpu.memory_space<hbm>> -> memref<1x8192xi32, #tpu.memory_space<hbm>>
      %dma_start3A_95 = tpu.memref_squeeze %dma_start3A_94 : memref<1x8192xi32, #tpu.memory_space<hbm>> -> memref<8192xi32, #tpu.memory_space<hbm>>
      tpu.enqueue_dma source(%dma_start3A_95 : memref<8192xi32, #tpu.memory_space<hbm>>) target(%arg4 : memref<8192xi32, #tpu.memory_space<vmem>>) target_semaphore(%run_scoped3A_90 : memref<!tpu.dma_semaphore, #tpu.memory_space<semaphore_mem>>)
      %dma_wait3A = arith.constant 0 : i32
      %dma_wait3A_96 = tpu.memref_slice %arg2[%run_scoped3A, %dma_wait3A] : memref<2x32768xi32, #tpu.memory_space<hbm>> -> memref<1x8192xi32, #tpu.memory_space<hbm>>
      %dma_wait3A_97 = tpu.memref_squeeze %dma_wait3A_96 : memref<1x8192xi32, #tpu.memory_space<hbm>> -> memref<8192xi32, #tpu.memory_space<hbm>>
      %dma_wait3A_98 = arith.constant 0 : i32
      %dma_wait3A_99 = tpu.memref_slice %arg2[%run_scoped3A, %dma_wait3A_98] : memref<2x32768xi32, #tpu.memory_space<hbm>> -> memref<1x8192xi32, #tpu.memory_space<hbm>>
      %dma_wait3A_100 = tpu.memref_squeeze %dma_wait3A_99 : memref<1x8192xi32, #tpu.memory_space<hbm>> -> memref<8192xi32, #tpu.memory_space<hbm>>
      tpu.wait_dma2 semaphore(%run_scoped3A_90 : memref<!tpu.dma_semaphore, #tpu.memory_space<semaphore_mem>>) src(%dma_wait3A_100 : memref<8192xi32, #tpu.memory_space<hbm>>) dst(%arg4 : memref<8192xi32, #tpu.memory_space<vmem>>)
      tpu.yield
    }) : () -> ()
    %run_scoped3A_13 = arith.constant 1 : i32
    "tpu.region"() ({
      %run_scoped3A_90 = tpu.sem_alloc : memref<!tpu.dma_semaphore, #tpu.memory_space<semaphore_mem>>
      %dma_start3A = arith.constant 0 : i32
      %dma_start3A_91 = tpu.memref_slice %arg2[%run_scoped3A_13, %dma_start3A] : memref<2x32768xi32, #tpu.memory_space<hbm>> -> memref<1x8192xi32, #tpu.memory_space<hbm>>
      %dma_start3A_92 = tpu.memref_squeeze %dma_start3A_91 : memref<1x8192xi32, #tpu.memory_space<hbm>> -> memref<8192xi32, #tpu.memory_space<hbm>>
      %dma_start3A_93 = arith.constant 0 : i32
      %dma_start3A_94 = tpu.memref_slice %arg2[%run_scoped3A_13, %dma_start3A_93] : memref<2x32768xi32, #tpu.memory_space<hbm>> -> memref<1x8192xi32, #tpu.memory_space<hbm>>
      %dma_start3A_95 = tpu.memref_squeeze %dma_start3A_94 : memref<1x8192xi32, #tpu.memory_space<hbm>> -> memref<8192xi32, #tpu.memory_space<hbm>>
      tpu.enqueue_dma source(%dma_start3A_95 : memref<8192xi32, #tpu.memory_space<hbm>>) target(%arg5 : memref<8192xi32, #tpu.memory_space<vmem>>) target_semaphore(%run_scoped3A_90 : memref<!tpu.dma_semaphore, #tpu.memory_space<semaphore_mem>>)
      %dma_wait3A = arith.constant 0 : i32
      %dma_wait3A_96 = tpu.memref_slice %arg2[%run_scoped3A_13, %dma_wait3A] : memref<2x32768xi32, #tpu.memory_space<hbm>> -> memref<1x8192xi32, #tpu.memory_space<hbm>>
      %dma_wait3A_97 = tpu.memref_squeeze %dma_wait3A_96 : memref<1x8192xi32, #tpu.memory_space<hbm>> -> memref<8192xi32, #tpu.memory_space<hbm>>
      %dma_wait3A_98 = arith.constant 0 : i32
      %dma_wait3A_99 = tpu.memref_slice %arg2[%run_scoped3A_13, %dma_wait3A_98] : memref<2x32768xi32, #tpu.memory_space<hbm>> -> memref<1x8192xi32, #tpu.memory_space<hbm>>
      %dma_wait3A_100 = tpu.memref_squeeze %dma_wait3A_99 : memref<1x8192xi32, #tpu.memory_space<hbm>> -> memref<8192xi32, #tpu.memory_space<hbm>>
      tpu.wait_dma2 semaphore(%run_scoped3A_90 : memref<!tpu.dma_semaphore, #tpu.memory_space<semaphore_mem>>) src(%dma_wait3A_100 : memref<8192xi32, #tpu.memory_space<hbm>>) dst(%arg5 : memref<8192xi32, #tpu.memory_space<vmem>>)
      tpu.yield
    }) : () -> ()
    %scan3A_14 = arith.constant 0 : i32
    %scan3A_15 = arith.constant 0 : i32
    %scan3A_16 = arith.constant 128 : i32
    %scan3A_17 = arith.addi %scan3A_15, %scan3A_16 : i32
    %scan3A_18 = arith.constant 1 : i32
    scf.for %scan3A_90 = %scan3A_15 to %scan3A_17 step %scan3A_18  : i32 {
      %mul3A_91 = arith.constant 64 : i32
      %mul3A_92 = arith.muli %scan3A_90, %mul3A_91 : i32
      %add3A_93 = arith.constant 0 : i32
      %add3A_94 = arith.addi %mul3A_92, %add3A_93 : i32
      %get3A = arith.index_cast %add3A_94 : i32 to index
      %get3A_95 = tpu.vector_load %arg4[%get3A] {strides = array<i32>} : memref<8192xi32, #tpu.memory_space<vmem>>, vector<16xi32>,
      %get3A_96 = arith.index_cast %add3A_94 : i32 to index
      %get3A_97 = tpu.vector_load %arg5[%get3A_96] {strides = array<i32>} : memref<8192xi32, #tpu.memory_space<vmem>>, vector<16xi32>,
      %ge3A = vector.broadcast %add3A_7 : i32 to vector<16xi32>
      %ge3A_98 = arith.cmpi sge, %get3A_97, %ge3A : vector<16xi32>
      %add3A_99 = arith.constant 32 : i32
      %add3A_100 = arith.addi %add3A_7, %add3A_99 : i32
      %lt3A = vector.broadcast %add3A_100 : i32 to vector<16xi32>
      %lt3A_101 = arith.cmpi slt, %get3A_97, %lt3A : vector<16xi32>
      %and3A = arith.andi %ge3A_98, %lt3A_101 : vector<16xi1>
      %sub3A = vector.broadcast %add3A_7 : i32 to vector<16xi32>
      %sub3A_102 = arith.subi %get3A_97, %sub3A : vector<16xi32>
      %mul3A_103 = arith.constant 2048 : i32
      %mul3A_104 = vector.broadcast %mul3A_103 : i32 to vector<16xi32>
      %mul3A_105 = arith.muli %sub3A_102, %mul3A_104 : vector<16xi32>
      %add3A_106 = arith.addi %mul3A_105, %get3A_95 : vector<16xi32>
      %jit3A = arith.constant 0 : i32
      %broadcast_in_dim3A_107 = vector.broadcast %jit3A : i32 to vector<16xi32>
      %select_n3A = arith.select %and3A, %add3A_106, %broadcast_in_dim3A_107 : vector<16xi1>, vector<16xi32>
      tpu.vector_store_idx %arg6[%select_n3A], %broadcast_in_dim3A_3 masked %and3A {add = true} : memref<65536xf32, #tpu.memory_space<vmem>>[vector<16xi32>], vector<16xf32>, vector<16xi1>
      %mul3A_108 = arith.constant 64 : i32
      %mul3A_109 = arith.muli %scan3A_90, %mul3A_108 : i32
      %add3A_110 = arith.constant 16 : i32
      %add3A_111 = arith.addi %mul3A_109, %add3A_110 : i32
      %get3A_112 = arith.index_cast %add3A_111 : i32 to index
      %get3A_113 = tpu.vector_load %arg4[%get3A_112] {strides = array<i32>} : memref<8192xi32, #tpu.memory_space<vmem>>, vector<16xi32>,
      %get3A_114 = arith.index_cast %add3A_111 : i32 to index
      %get3A_115 = tpu.vector_load %arg5[%get3A_114] {strides = array<i32>} : memref<8192xi32, #tpu.memory_space<vmem>>, vector<16xi32>,
      %ge3A_116 = vector.broadcast %add3A_7 : i32 to vector<16xi32>
      %ge3A_117 = arith.cmpi sge, %get3A_115, %ge3A_116 : vector<16xi32>
      %add3A_118 = arith.constant 32 : i32
      %add3A_119 = arith.addi %add3A_7, %add3A_118 : i32
      %lt3A_120 = vector.broadcast %add3A_119 : i32 to vector<16xi32>
      %lt3A_121 = arith.cmpi slt, %get3A_115, %lt3A_120 : vector<16xi32>
      %and3A_122 = arith.andi %ge3A_117, %lt3A_121 : vector<16xi1>
      %sub3A_123 = vector.broadcast %add3A_7 : i32 to vector<16xi32>
      %sub3A_124 = arith.subi %get3A_115, %sub3A_123 : vector<16xi32>
      %mul3A_125 = arith.constant 2048 : i32
      %mul3A_126 = vector.broadcast %mul3A_125 : i32 to vector<16xi32>
      %mul3A_127 = arith.muli %sub3A_124, %mul3A_126 : vector<16xi32>
      %add3A_128 = arith.addi %mul3A_127, %get3A_113 : vector<16xi32>
      %jit3A_129 = arith.constant 0 : i32
      %broadcast_in_dim3A_130 = vector.broadcast %jit3A_129 : i32 to vector<16xi32>
      %select_n3A_131 = arith.select %and3A_122, %add3A_128, %broadcast_in_dim3A_130 : vector<16xi1>, vector<16xi32>
      tpu.vector_store_idx %arg6[%select_n3A_131], %broadcast_in_dim3A_3 masked %and3A_122 {add = true} : memref<65536xf32, #tpu.memory_space<vmem>>[vector<16xi32>], vector<16xf32>, vector<16xi1>
      %mul3A_132 = arith.constant 64 : i32
      %mul3A_133 = arith.muli %scan3A_90, %mul3A_132 : i32
      %add3A_134 = arith.constant 32 : i32
      %add3A_135 = arith.addi %mul3A_133, %add3A_134 : i32
      %get3A_136 = arith.index_cast %add3A_135 : i32 to index
      %get3A_137 = tpu.vector_load %arg4[%get3A_136] {strides = array<i32>} : memref<8192xi32, #tpu.memory_space<vmem>>, vector<16xi32>,
      %get3A_138 = arith.index_cast %add3A_135 : i32 to index
      %get3A_139 = tpu.vector_load %arg5[%get3A_138] {strides = array<i32>} : memref<8192xi32, #tpu.memory_space<vmem>>, vector<16xi32>,
      %ge3A_140 = vector.broadcast %add3A_7 : i32 to vector<16xi32>
      %ge3A_141 = arith.cmpi sge, %get3A_139, %ge3A_140 : vector<16xi32>
      %add3A_142 = arith.constant 32 : i32
      %add3A_143 = arith.addi %add3A_7, %add3A_142 : i32
      %lt3A_144 = vector.broadcast %add3A_143 : i32 to vector<16xi32>
      %lt3A_145 = arith.cmpi slt, %get3A_139, %lt3A_144 : vector<16xi32>
      %and3A_146 = arith.andi %ge3A_141, %lt3A_145 : vector<16xi1>
      %sub3A_147 = vector.broadcast %add3A_7 : i32 to vector<16xi32>
      %sub3A_148 = arith.subi %get3A_139, %sub3A_147 : vector<16xi32>
      %mul3A_149 = arith.constant 2048 : i32
      %mul3A_150 = vector.broadcast %mul3A_149 : i32 to vector<16xi32>
      %mul3A_151 = arith.muli %sub3A_148, %mul3A_150 : vector<16xi32>
      %add3A_152 = arith.addi %mul3A_151, %get3A_137 : vector<16xi32>
      %jit3A_153 = arith.constant 0 : i32
      %broadcast_in_dim3A_154 = vector.broadcast %jit3A_153 : i32 to vector<16xi32>
      %select_n3A_155 = arith.select %and3A_146, %add3A_152, %broadcast_in_dim3A_154 : vector<16xi1>, vector<16xi32>
      tpu.vector_store_idx %arg6[%select_n3A_155], %broadcast_in_dim3A_3 masked %and3A_146 {add = true} : memref<65536xf32, #tpu.memory_space<vmem>>[vector<16xi32>], vector<16xf32>, vector<16xi1>
      %mul3A_156 = arith.constant 64 : i32
      %mul3A_157 = arith.muli %scan3A_90, %mul3A_156 : i32
      %add3A_158 = arith.constant 48 : i32
      %add3A_159 = arith.addi %mul3A_157, %add3A_158 : i32
      %get3A_160 = arith.index_cast %add3A_159 : i32 to index
      %get3A_161 = tpu.vector_load %arg4[%get3A_160] {strides = array<i32>} : memref<8192xi32, #tpu.memory_space<vmem>>, vector<16xi32>,
      %get3A_162 = arith.index_cast %add3A_159 : i32 to index
      %get3A_163 = tpu.vector_load %arg5[%get3A_162] {strides = array<i32>} : memref<8192xi32, #tpu.memory_space<vmem>>, vector<16xi32>,
      %ge3A_164 = vector.broadcast %add3A_7 : i32 to vector<16xi32>
      %ge3A_165 = arith.cmpi sge, %get3A_163, %ge3A_164 : vector<16xi32>
      %add3A_166 = arith.constant 32 : i32
      %add3A_167 = arith.addi %add3A_7, %add3A_166 : i32
      %lt3A_168 = vector.broadcast %add3A_167 : i32 to vector<16xi32>
      %lt3A_169 = arith.cmpi slt, %get3A_163, %lt3A_168 : vector<16xi32>
      %and3A_170 = arith.andi %ge3A_165, %lt3A_169 : vector<16xi1>
      %sub3A_171 = vector.broadcast %add3A_7 : i32 to vector<16xi32>
      %sub3A_172 = arith.subi %get3A_163, %sub3A_171 : vector<16xi32>
      %mul3A_173 = arith.constant 2048 : i32
      %mul3A_174 = vector.broadcast %mul3A_173 : i32 to vector<16xi32>
      %mul3A_175 = arith.muli %sub3A_172, %mul3A_174 : vector<16xi32>
      %add3A_176 = arith.addi %mul3A_175, %get3A_161 : vector<16xi32>
      %jit3A_177 = arith.constant 0 : i32
      %broadcast_in_dim3A_178 = vector.broadcast %jit3A_177 : i32 to vector<16xi32>
      %select_n3A_179 = arith.select %and3A_170, %add3A_176, %broadcast_in_dim3A_178 : vector<16xi1>, vector<16xi32>
      tpu.vector_store_idx %arg6[%select_n3A_179], %broadcast_in_dim3A_3 masked %and3A_170 {add = true} : memref<65536xf32, #tpu.memory_space<vmem>>[vector<16xi32>], vector<16xf32>, vector<16xi1>
    }
    %scan3A_19 = arith.constant 128 : i32
    %run_scoped3A_20 = arith.constant 0 : i32
    "tpu.region"() ({
      %run_scoped3A_90 = tpu.sem_alloc : memref<!tpu.dma_semaphore, #tpu.memory_space<semaphore_mem>>
      %dma_start3A = arith.constant 8192 : i32
      %dma_start3A_91 = tpu.memref_slice %arg2[%run_scoped3A_20, %dma_start3A] : memref<2x32768xi32, #tpu.memory_space<hbm>> -> memref<1x8192xi32, #tpu.memory_space<hbm>>
      %dma_start3A_92 = tpu.memref_squeeze %dma_start3A_91 : memref<1x8192xi32, #tpu.memory_space<hbm>> -> memref<8192xi32, #tpu.memory_space<hbm>>
      %dma_start3A_93 = arith.constant 8192 : i32
      %dma_start3A_94 = tpu.memref_slice %arg2[%run_scoped3A_20, %dma_start3A_93] : memref<2x32768xi32, #tpu.memory_space<hbm>> -> memref<1x8192xi32, #tpu.memory_space<hbm>>
      %dma_start3A_95 = tpu.memref_squeeze %dma_start3A_94 : memref<1x8192xi32, #tpu.memory_space<hbm>> -> memref<8192xi32, #tpu.memory_space<hbm>>
      tpu.enqueue_dma source(%dma_start3A_95 : memref<8192xi32, #tpu.memory_space<hbm>>) target(%arg4 : memref<8192xi32, #tpu.memory_space<vmem>>) target_semaphore(%run_scoped3A_90 : memref<!tpu.dma_semaphore, #tpu.memory_space<semaphore_mem>>)
      %dma_wait3A = arith.constant 8192 : i32
      %dma_wait3A_96 = tpu.memref_slice %arg2[%run_scoped3A_20, %dma_wait3A] : memref<2x32768xi32, #tpu.memory_space<hbm>> -> memref<1x8192xi32, #tpu.memory_space<hbm>>
      %dma_wait3A_97 = tpu.memref_squeeze %dma_wait3A_96 : memref<1x8192xi32, #tpu.memory_space<hbm>> -> memref<8192xi32, #tpu.memory_space<hbm>>
      %dma_wait3A_98 = arith.constant 8192 : i32
      %dma_wait3A_99 = tpu.memref_slice %arg2[%run_scoped3A_20, %dma_wait3A_98] : memref<2x32768xi32, #tpu.memory_space<hbm>> -> memref<1x8192xi32, #tpu.memory_space<hbm>>
      %dma_wait3A_100 = tpu.memref_squeeze %dma_wait3A_99 : memref<1x8192xi32, #tpu.memory_space<hbm>> -> memref<8192xi32, #tpu.memory_space<hbm>>
      tpu.wait_dma2 semaphore(%run_scoped3A_90 : memref<!tpu.dma_semaphore, #tpu.memory_space<semaphore_mem>>) src(%dma_wait3A_100 : memref<8192xi32, #tpu.memory_space<hbm>>) dst(%arg4 : memref<8192xi32, #tpu.memory_space<vmem>>)
      tpu.yield
    }) : () -> ()
    %run_scoped3A_21 = arith.constant 1 : i32
    "tpu.region"() ({
      %run_scoped3A_90 = tpu.sem_alloc : memref<!tpu.dma_semaphore, #tpu.memory_space<semaphore_mem>>
      %dma_start3A = arith.constant 8192 : i32
      %dma_start3A_91 = tpu.memref_slice %arg2[%run_scoped3A_21, %dma_start3A] : memref<2x32768xi32, #tpu.memory_space<hbm>> -> memref<1x8192xi32, #tpu.memory_space<hbm>>
      %dma_start3A_92 = tpu.memref_squeeze %dma_start3A_91 : memref<1x8192xi32, #tpu.memory_space<hbm>> -> memref<8192xi32, #tpu.memory_space<hbm>>
      %dma_start3A_93 = arith.constant 8192 : i32
      %dma_start3A_94 = tpu.memref_slice %arg2[%run_scoped3A_21, %dma_start3A_93] : memref<2x32768xi32, #tpu.memory_space<hbm>> -> memref<1x8192xi32, #tpu.memory_space<hbm>>
      %dma_start3A_95 = tpu.memref_squeeze %dma_start3A_94 : memref<1x8192xi32, #tpu.memory_space<hbm>> -> memref<8192xi32, #tpu.memory_space<hbm>>
      tpu.enqueue_dma source(%dma_start3A_95 : memref<8192xi32, #tpu.memory_space<hbm>>) target(%arg5 : memref<8192xi32, #tpu.memory_space<vmem>>) target_semaphore(%run_scoped3A_90 : memref<!tpu.dma_semaphore, #tpu.memory_space<semaphore_mem>>)
      %dma_wait3A = arith.constant 8192 : i32
      %dma_wait3A_96 = tpu.memref_slice %arg2[%run_scoped3A_21, %dma_wait3A] : memref<2x32768xi32, #tpu.memory_space<hbm>> -> memref<1x8192xi32, #tpu.memory_space<hbm>>
      %dma_wait3A_97 = tpu.memref_squeeze %dma_wait3A_96 : memref<1x8192xi32, #tpu.memory_space<hbm>> -> memref<8192xi32, #tpu.memory_space<hbm>>
      %dma_wait3A_98 = arith.constant 8192 : i32
      %dma_wait3A_99 = tpu.memref_slice %arg2[%run_scoped3A_21, %dma_wait3A_98] : memref<2x32768xi32, #tpu.memory_space<hbm>> -> memref<1x8192xi32, #tpu.memory_space<hbm>>
      %dma_wait3A_100 = tpu.memref_squeeze %dma_wait3A_99 : memref<1x8192xi32, #tpu.memory_space<hbm>> -> memref<8192xi32, #tpu.memory_space<hbm>>
      tpu.wait_dma2 semaphore(%run_scoped3A_90 : memref<!tpu.dma_semaphore, #tpu.memory_space<semaphore_mem>>) src(%dma_wait3A_100 : memref<8192xi32, #tpu.memory_space<hbm>>) dst(%arg5 : memref<8192xi32, #tpu.memory_space<vmem>>)
      tpu.yield
    }) : () -> ()
    %scan3A_22 = arith.constant 0 : i32
    %scan3A_23 = arith.constant 0 : i32
    %scan3A_24 = arith.constant 128 : i32
    %scan3A_25 = arith.addi %scan3A_23, %scan3A_24 : i32
    %scan3A_26 = arith.constant 1 : i32
    scf.for %scan3A_90 = %scan3A_23 to %scan3A_25 step %scan3A_26  : i32 {
      %mul3A_91 = arith.constant 64 : i32
      %mul3A_92 = arith.muli %scan3A_90, %mul3A_91 : i32
      %add3A_93 = arith.constant 0 : i32
      %add3A_94 = arith.addi %mul3A_92, %add3A_93 : i32
      %get3A = arith.index_cast %add3A_94 : i32 to index
      %get3A_95 = tpu.vector_load %arg4[%get3A] {strides = array<i32>} : memref<8192xi32, #tpu.memory_space<vmem>>, vector<16xi32>,
      %get3A_96 = arith.index_cast %add3A_94 : i32 to index
      %get3A_97 = tpu.vector_load %arg5[%get3A_96] {strides = array<i32>} : memref<8192xi32, #tpu.memory_space<vmem>>, vector<16xi32>,
      %ge3A = vector.broadcast %add3A_7 : i32 to vector<16xi32>
      %ge3A_98 = arith.cmpi sge, %get3A_97, %ge3A : vector<16xi32>
      %add3A_99 = arith.constant 32 : i32
      %add3A_100 = arith.addi %add3A_7, %add3A_99 : i32
      %lt3A = vector.broadcast %add3A_100 : i32 to vector<16xi32>
      %lt3A_101 = arith.cmpi slt, %get3A_97, %lt3A : vector<16xi32>
      %and3A = arith.andi %ge3A_98, %lt3A_101 : vector<16xi1>
      %sub3A = vector.broadcast %add3A_7 : i32 to vector<16xi32>
      %sub3A_102 = arith.subi %get3A_97, %sub3A : vector<16xi32>
      %mul3A_103 = arith.constant 2048 : i32
      %mul3A_104 = vector.broadcast %mul3A_103 : i32 to vector<16xi32>
      %mul3A_105 = arith.muli %sub3A_102, %mul3A_104 : vector<16xi32>
      %add3A_106 = arith.addi %mul3A_105, %get3A_95 : vector<16xi32>
      %jit3A = arith.constant 0 : i32
      %broadcast_in_dim3A_107 = vector.broadcast %jit3A : i32 to vector<16xi32>
      %select_n3A = arith.select %and3A, %add3A_106, %broadcast_in_dim3A_107 : vector<16xi1>, vector<16xi32>
      tpu.vector_store_idx %arg6[%select_n3A], %broadcast_in_dim3A_3 masked %and3A {add = true} : memref<65536xf32, #tpu.memory_space<vmem>>[vector<16xi32>], vector<16xf32>, vector<16xi1>
      %mul3A_108 = arith.constant 64 : i32
      %mul3A_109 = arith.muli %scan3A_90, %mul3A_108 : i32
      %add3A_110 = arith.constant 16 : i32
      %add3A_111 = arith.addi %mul3A_109, %add3A_110 : i32
      %get3A_112 = arith.index_cast %add3A_111 : i32 to index
      %get3A_113 = tpu.vector_load %arg4[%get3A_112] {strides = array<i32>} : memref<8192xi32, #tpu.memory_space<vmem>>, vector<16xi32>,
      %get3A_114 = arith.index_cast %add3A_111 : i32 to index
      %get3A_115 = tpu.vector_load %arg5[%get3A_114] {strides = array<i32>} : memref<8192xi32, #tpu.memory_space<vmem>>, vector<16xi32>,
      %ge3A_116 = vector.broadcast %add3A_7 : i32 to vector<16xi32>
      %ge3A_117 = arith.cmpi sge, %get3A_115, %ge3A_116 : vector<16xi32>
      %add3A_118 = arith.constant 32 : i32
      %add3A_119 = arith.addi %add3A_7, %add3A_118 : i32
      %lt3A_120 = vector.broadcast %add3A_119 : i32 to vector<16xi32>
      %lt3A_121 = arith.cmpi slt, %get3A_115, %lt3A_120 : vector<16xi32>
      %and3A_122 = arith.andi %ge3A_117, %lt3A_121 : vector<16xi1>
      %sub3A_123 = vector.broadcast %add3A_7 : i32 to vector<16xi32>
      %sub3A_124 = arith.subi %get3A_115, %sub3A_123 : vector<16xi32>
      %mul3A_125 = arith.constant 2048 : i32
      %mul3A_126 = vector.broadcast %mul3A_125 : i32 to vector<16xi32>
      %mul3A_127 = arith.muli %sub3A_124, %mul3A_126 : vector<16xi32>
      %add3A_128 = arith.addi %mul3A_127, %get3A_113 : vector<16xi32>
      %jit3A_129 = arith.constant 0 : i32
      %broadcast_in_dim3A_130 = vector.broadcast %jit3A_129 : i32 to vector<16xi32>
      %select_n3A_131 = arith.select %and3A_122, %add3A_128, %broadcast_in_dim3A_130 : vector<16xi1>, vector<16xi32>
      tpu.vector_store_idx %arg6[%select_n3A_131], %broadcast_in_dim3A_3 masked %and3A_122 {add = true} : memref<65536xf32, #tpu.memory_space<vmem>>[vector<16xi32>], vector<16xf32>, vector<16xi1>
      %mul3A_132 = arith.constant 64 : i32
      %mul3A_133 = arith.muli %scan3A_90, %mul3A_132 : i32
      %add3A_134 = arith.constant 32 : i32
      %add3A_135 = arith.addi %mul3A_133, %add3A_134 : i32
      %get3A_136 = arith.index_cast %add3A_135 : i32 to index
      %get3A_137 = tpu.vector_load %arg4[%get3A_136] {strides = array<i32>} : memref<8192xi32, #tpu.memory_space<vmem>>, vector<16xi32>,
      %get3A_138 = arith.index_cast %add3A_135 : i32 to index
      %get3A_139 = tpu.vector_load %arg5[%get3A_138] {strides = array<i32>} : memref<8192xi32, #tpu.memory_space<vmem>>, vector<16xi32>,
      %ge3A_140 = vector.broadcast %add3A_7 : i32 to vector<16xi32>
      %ge3A_141 = arith.cmpi sge, %get3A_139, %ge3A_140 : vector<16xi32>
      %add3A_142 = arith.constant 32 : i32
      %add3A_143 = arith.addi %add3A_7, %add3A_142 : i32
      %lt3A_144 = vector.broadcast %add3A_143 : i32 to vector<16xi32>
      %lt3A_145 = arith.cmpi slt, %get3A_139, %lt3A_144 : vector<16xi32>
      %and3A_146 = arith.andi %ge3A_141, %lt3A_145 : vector<16xi1>
      %sub3A_147 = vector.broadcast %add3A_7 : i32 to vector<16xi32>
      %sub3A_148 = arith.subi %get3A_139, %sub3A_147 : vector<16xi32>
      %mul3A_149 = arith.constant 2048 : i32
      %mul3A_150 = vector.broadcast %mul3A_149 : i32 to vector<16xi32>
      %mul3A_151 = arith.muli %sub3A_148, %mul3A_150 : vector<16xi32>
      %add3A_152 = arith.addi %mul3A_151, %get3A_137 : vector<16xi32>
      %jit3A_153 = arith.constant 0 : i32
      %broadcast_in_dim3A_154 = vector.broadcast %jit3A_153 : i32 to vector<16xi32>
      %select_n3A_155 = arith.select %and3A_146, %add3A_152, %broadcast_in_dim3A_154 : vector<16xi1>, vector<16xi32>
      tpu.vector_store_idx %arg6[%select_n3A_155], %broadcast_in_dim3A_3 masked %and3A_146 {add = true} : memref<65536xf32, #tpu.memory_space<vmem>>[vector<16xi32>], vector<16xf32>, vector<16xi1>
      %mul3A_156 = arith.constant 64 : i32
      %mul3A_157 = arith.muli %scan3A_90, %mul3A_156 : i32
      %add3A_158 = arith.constant 48 : i32
      %add3A_159 = arith.addi %mul3A_157, %add3A_158 : i32
      %get3A_160 = arith.index_cast %add3A_159 : i32 to index
      %get3A_161 = tpu.vector_load %arg4[%get3A_160] {strides = array<i32>} : memref<8192xi32, #tpu.memory_space<vmem>>, vector<16xi32>,
      %get3A_162 = arith.index_cast %add3A_159 : i32 to index
      %get3A_163 = tpu.vector_load %arg5[%get3A_162] {strides = array<i32>} : memref<8192xi32, #tpu.memory_space<vmem>>, vector<16xi32>,
      %ge3A_164 = vector.broadcast %add3A_7 : i32 to vector<16xi32>
      %ge3A_165 = arith.cmpi sge, %get3A_163, %ge3A_164 : vector<16xi32>
      %add3A_166 = arith.constant 32 : i32
      %add3A_167 = arith.addi %add3A_7, %add3A_166 : i32
      %lt3A_168 = vector.broadcast %add3A_167 : i32 to vector<16xi32>
      %lt3A_169 = arith.cmpi slt, %get3A_163, %lt3A_168 : vector<16xi32>
      %and3A_170 = arith.andi %ge3A_165, %lt3A_169 : vector<16xi1>
      %sub3A_171 = vector.broadcast %add3A_7 : i32 to vector<16xi32>
      %sub3A_172 = arith.subi %get3A_163, %sub3A_171 : vector<16xi32>
      %mul3A_173 = arith.constant 2048 : i32
      %mul3A_174 = vector.broadcast %mul3A_173 : i32 to vector<16xi32>
      %mul3A_175 = arith.muli %sub3A_172, %mul3A_174 : vector<16xi32>
      %add3A_176 = arith.addi %mul3A_175, %get3A_161 : vector<16xi32>
      %jit3A_177 = arith.constant 0 : i32
      %broadcast_in_dim3A_178 = vector.broadcast %jit3A_177 : i32 to vector<16xi32>
      %select_n3A_179 = arith.select %and3A_170, %add3A_176, %broadcast_in_dim3A_178 : vector<16xi1>, vector<16xi32>
      tpu.vector_store_idx %arg6[%select_n3A_179], %broadcast_in_dim3A_3 masked %and3A_170 {add = true} : memref<65536xf32, #tpu.memory_space<vmem>>[vector<16xi32>], vector<16xf32>, vector<16xi1>
    }
    %scan3A_27 = arith.constant 128 : i32
    %run_scoped3A_28 = arith.constant 0 : i32
    "tpu.region"() ({
      %run_scoped3A_90 = tpu.sem_alloc : memref<!tpu.dma_semaphore, #tpu.memory_space<semaphore_mem>>
      %dma_start3A = arith.constant 16384 : i32
      %dma_start3A_91 = tpu.memref_slice %arg2[%run_scoped3A_28, %dma_start3A] : memref<2x32768xi32, #tpu.memory_space<hbm>> -> memref<1x8192xi32, #tpu.memory_space<hbm>>
      %dma_start3A_92 = tpu.memref_squeeze %dma_start3A_91 : memref<1x8192xi32, #tpu.memory_space<hbm>> -> memref<8192xi32, #tpu.memory_space<hbm>>
      %dma_start3A_93 = arith.constant 16384 : i32
      %dma_start3A_94 = tpu.memref_slice %arg2[%run_scoped3A_28, %dma_start3A_93] : memref<2x32768xi32, #tpu.memory_space<hbm>> -> memref<1x8192xi32, #tpu.memory_space<hbm>>
      %dma_start3A_95 = tpu.memref_squeeze %dma_start3A_94 : memref<1x8192xi32, #tpu.memory_space<hbm>> -> memref<8192xi32, #tpu.memory_space<hbm>>
      tpu.enqueue_dma source(%dma_start3A_95 : memref<8192xi32, #tpu.memory_space<hbm>>) target(%arg4 : memref<8192xi32, #tpu.memory_space<vmem>>) target_semaphore(%run_scoped3A_90 : memref<!tpu.dma_semaphore, #tpu.memory_space<semaphore_mem>>)
      %dma_wait3A = arith.constant 16384 : i32
      %dma_wait3A_96 = tpu.memref_slice %arg2[%run_scoped3A_28, %dma_wait3A] : memref<2x32768xi32, #tpu.memory_space<hbm>> -> memref<1x8192xi32, #tpu.memory_space<hbm>>
      %dma_wait3A_97 = tpu.memref_squeeze %dma_wait3A_96 : memref<1x8192xi32, #tpu.memory_space<hbm>> -> memref<8192xi32, #tpu.memory_space<hbm>>
      %dma_wait3A_98 = arith.constant 16384 : i32
      %dma_wait3A_99 = tpu.memref_slice %arg2[%run_scoped3A_28, %dma_wait3A_98] : memref<2x32768xi32, #tpu.memory_space<hbm>> -> memref<1x8192xi32, #tpu.memory_space<hbm>>
      %dma_wait3A_100 = tpu.memref_squeeze %dma_wait3A_99 : memref<1x8192xi32, #tpu.memory_space<hbm>> -> memref<8192xi32, #tpu.memory_space<hbm>>
      tpu.wait_dma2 semaphore(%run_scoped3A_90 : memref<!tpu.dma_semaphore, #tpu.memory_space<semaphore_mem>>) src(%dma_wait3A_100 : memref<8192xi32, #tpu.memory_space<hbm>>) dst(%arg4 : memref<8192xi32, #tpu.memory_space<vmem>>)
      tpu.yield
    }) : () -> ()
    %run_scoped3A_29 = arith.constant 1 : i32
    "tpu.region"() ({
      %run_scoped3A_90 = tpu.sem_alloc : memref<!tpu.dma_semaphore, #tpu.memory_space<semaphore_mem>>
      %dma_start3A = arith.constant 16384 : i32
      %dma_start3A_91 = tpu.memref_slice %arg2[%run_scoped3A_29, %dma_start3A] : memref<2x32768xi32, #tpu.memory_space<hbm>> -> memref<1x8192xi32, #tpu.memory_space<hbm>>
      %dma_start3A_92 = tpu.memref_squeeze %dma_start3A_91 : memref<1x8192xi32, #tpu.memory_space<hbm>> -> memref<8192xi32, #tpu.memory_space<hbm>>
      %dma_start3A_93 = arith.constant 16384 : i32
      %dma_start3A_94 = tpu.memref_slice %arg2[%run_scoped3A_29, %dma_start3A_93] : memref<2x32768xi32, #tpu.memory_space<hbm>> -> memref<1x8192xi32, #tpu.memory_space<hbm>>
      %dma_start3A_95 = tpu.memref_squeeze %dma_start3A_94 : memref<1x8192xi32, #tpu.memory_space<hbm>> -> memref<8192xi32, #tpu.memory_space<hbm>>
      tpu.enqueue_dma source(%dma_start3A_95 : memref<8192xi32, #tpu.memory_space<hbm>>) target(%arg5 : memref<8192xi32, #tpu.memory_space<vmem>>) target_semaphore(%run_scoped3A_90 : memref<!tpu.dma_semaphore, #tpu.memory_space<semaphore_mem>>)
      %dma_wait3A = arith.constant 16384 : i32
      %dma_wait3A_96 = tpu.memref_slice %arg2[%run_scoped3A_29, %dma_wait3A] : memref<2x32768xi32, #tpu.memory_space<hbm>> -> memref<1x8192xi32, #tpu.memory_space<hbm>>
      %dma_wait3A_97 = tpu.memref_squeeze %dma_wait3A_96 : memref<1x8192xi32, #tpu.memory_space<hbm>> -> memref<8192xi32, #tpu.memory_space<hbm>>
      %dma_wait3A_98 = arith.constant 16384 : i32
      %dma_wait3A_99 = tpu.memref_slice %arg2[%run_scoped3A_29, %dma_wait3A_98] : memref<2x32768xi32, #tpu.memory_space<hbm>> -> memref<1x8192xi32, #tpu.memory_space<hbm>>
      %dma_wait3A_100 = tpu.memref_squeeze %dma_wait3A_99 : memref<1x8192xi32, #tpu.memory_space<hbm>> -> memref<8192xi32, #tpu.memory_space<hbm>>
      tpu.wait_dma2 semaphore(%run_scoped3A_90 : memref<!tpu.dma_semaphore, #tpu.memory_space<semaphore_mem>>) src(%dma_wait3A_100 : memref<8192xi32, #tpu.memory_space<hbm>>) dst(%arg5 : memref<8192xi32, #tpu.memory_space<vmem>>)
      tpu.yield
    }) : () -> ()
    %scan3A_30 = arith.constant 0 : i32
    %scan3A_31 = arith.constant 0 : i32
    %scan3A_32 = arith.constant 128 : i32
    %scan3A_33 = arith.addi %scan3A_31, %scan3A_32 : i32
    %scan3A_34 = arith.constant 1 : i32
    scf.for %scan3A_90 = %scan3A_31 to %scan3A_33 step %scan3A_34  : i32 {
      %mul3A_91 = arith.constant 64 : i32
      %mul3A_92 = arith.muli %scan3A_90, %mul3A_91 : i32
      %add3A_93 = arith.constant 0 : i32
      %add3A_94 = arith.addi %mul3A_92, %add3A_93 : i32
      %get3A = arith.index_cast %add3A_94 : i32 to index
      %get3A_95 = tpu.vector_load %arg4[%get3A] {strides = array<i32>} : memref<8192xi32, #tpu.memory_space<vmem>>, vector<16xi32>,
      %get3A_96 = arith.index_cast %add3A_94 : i32 to index
      %get3A_97 = tpu.vector_load %arg5[%get3A_96] {strides = array<i32>} : memref<8192xi32, #tpu.memory_space<vmem>>, vector<16xi32>,
      %ge3A = vector.broadcast %add3A_7 : i32 to vector<16xi32>
      %ge3A_98 = arith.cmpi sge, %get3A_97, %ge3A : vector<16xi32>
      %add3A_99 = arith.constant 32 : i32
      %add3A_100 = arith.addi %add3A_7, %add3A_99 : i32
      %lt3A = vector.broadcast %add3A_100 : i32 to vector<16xi32>
      %lt3A_101 = arith.cmpi slt, %get3A_97, %lt3A : vector<16xi32>
      %and3A = arith.andi %ge3A_98, %lt3A_101 : vector<16xi1>
      %sub3A = vector.broadcast %add3A_7 : i32 to vector<16xi32>
      %sub3A_102 = arith.subi %get3A_97, %sub3A : vector<16xi32>
      %mul3A_103 = arith.constant 2048 : i32
      %mul3A_104 = vector.broadcast %mul3A_103 : i32 to vector<16xi32>
      %mul3A_105 = arith.muli %sub3A_102, %mul3A_104 : vector<16xi32>
      %add3A_106 = arith.addi %mul3A_105, %get3A_95 : vector<16xi32>
      %jit3A = arith.constant 0 : i32
      %broadcast_in_dim3A_107 = vector.broadcast %jit3A : i32 to vector<16xi32>
      %select_n3A = arith.select %and3A, %add3A_106, %broadcast_in_dim3A_107 : vector<16xi1>, vector<16xi32>
      tpu.vector_store_idx %arg6[%select_n3A], %broadcast_in_dim3A_3 masked %and3A {add = true} : memref<65536xf32, #tpu.memory_space<vmem>>[vector<16xi32>], vector<16xf32>, vector<16xi1>
      %mul3A_108 = arith.constant 64 : i32
      %mul3A_109 = arith.muli %scan3A_90, %mul3A_108 : i32
      %add3A_110 = arith.constant 16 : i32
      %add3A_111 = arith.addi %mul3A_109, %add3A_110 : i32
      %get3A_112 = arith.index_cast %add3A_111 : i32 to index
      %get3A_113 = tpu.vector_load %arg4[%get3A_112] {strides = array<i32>} : memref<8192xi32, #tpu.memory_space<vmem>>, vector<16xi32>,
      %get3A_114 = arith.index_cast %add3A_111 : i32 to index
      %get3A_115 = tpu.vector_load %arg5[%get3A_114] {strides = array<i32>} : memref<8192xi32, #tpu.memory_space<vmem>>, vector<16xi32>,
      %ge3A_116 = vector.broadcast %add3A_7 : i32 to vector<16xi32>
      %ge3A_117 = arith.cmpi sge, %get3A_115, %ge3A_116 : vector<16xi32>
      %add3A_118 = arith.constant 32 : i32
      %add3A_119 = arith.addi %add3A_7, %add3A_118 : i32
      %lt3A_120 = vector.broadcast %add3A_119 : i32 to vector<16xi32>
      %lt3A_121 = arith.cmpi slt, %get3A_115, %lt3A_120 : vector<16xi32>
      %and3A_122 = arith.andi %ge3A_117, %lt3A_121 : vector<16xi1>
      %sub3A_123 = vector.broadcast %add3A_7 : i32 to vector<16xi32>
      %sub3A_124 = arith.subi %get3A_115, %sub3A_123 : vector<16xi32>
      %mul3A_125 = arith.constant 2048 : i32
      %mul3A_126 = vector.broadcast %mul3A_125 : i32 to vector<16xi32>
      %mul3A_127 = arith.muli %sub3A_124, %mul3A_126 : vector<16xi32>
      %add3A_128 = arith.addi %mul3A_127, %get3A_113 : vector<16xi32>
      %jit3A_129 = arith.constant 0 : i32
      %broadcast_in_dim3A_130 = vector.broadcast %jit3A_129 : i32 to vector<16xi32>
      %select_n3A_131 = arith.select %and3A_122, %add3A_128, %broadcast_in_dim3A_130 : vector<16xi1>, vector<16xi32>
      tpu.vector_store_idx %arg6[%select_n3A_131], %broadcast_in_dim3A_3 masked %and3A_122 {add = true} : memref<65536xf32, #tpu.memory_space<vmem>>[vector<16xi32>], vector<16xf32>, vector<16xi1>
      %mul3A_132 = arith.constant 64 : i32
      %mul3A_133 = arith.muli %scan3A_90, %mul3A_132 : i32
      %add3A_134 = arith.constant 32 : i32
      %add3A_135 = arith.addi %mul3A_133, %add3A_134 : i32
      %get3A_136 = arith.index_cast %add3A_135 : i32 to index
      %get3A_137 = tpu.vector_load %arg4[%get3A_136] {strides = array<i32>} : memref<8192xi32, #tpu.memory_space<vmem>>, vector<16xi32>,
      %get3A_138 = arith.index_cast %add3A_135 : i32 to index
      %get3A_139 = tpu.vector_load %arg5[%get3A_138] {strides = array<i32>} : memref<8192xi32, #tpu.memory_space<vmem>>, vector<16xi32>,
      %ge3A_140 = vector.broadcast %add3A_7 : i32 to vector<16xi32>
      %ge3A_141 = arith.cmpi sge, %get3A_139, %ge3A_140 : vector<16xi32>
      %add3A_142 = arith.constant 32 : i32
      %add3A_143 = arith.addi %add3A_7, %add3A_142 : i32
      %lt3A_144 = vector.broadcast %add3A_143 : i32 to vector<16xi32>
      %lt3A_145 = arith.cmpi slt, %get3A_139, %lt3A_144 : vector<16xi32>
      %and3A_146 = arith.andi %ge3A_141, %lt3A_145 : vector<16xi1>
      %sub3A_147 = vector.broadcast %add3A_7 : i32 to vector<16xi32>
      %sub3A_148 = arith.subi %get3A_139, %sub3A_147 : vector<16xi32>
      %mul3A_149 = arith.constant 2048 : i32
      %mul3A_150 = vector.broadcast %mul3A_149 : i32 to vector<16xi32>
      %mul3A_151 = arith.muli %sub3A_148, %mul3A_150 : vector<16xi32>
      %add3A_152 = arith.addi %mul3A_151, %get3A_137 : vector<16xi32>
      %jit3A_153 = arith.constant 0 : i32
      %broadcast_in_dim3A_154 = vector.broadcast %jit3A_153 : i32 to vector<16xi32>
      %select_n3A_155 = arith.select %and3A_146, %add3A_152, %broadcast_in_dim3A_154 : vector<16xi1>, vector<16xi32>
      tpu.vector_store_idx %arg6[%select_n3A_155], %broadcast_in_dim3A_3 masked %and3A_146 {add = true} : memref<65536xf32, #tpu.memory_space<vmem>>[vector<16xi32>], vector<16xf32>, vector<16xi1>
      %mul3A_156 = arith.constant 64 : i32
      %mul3A_157 = arith.muli %scan3A_90, %mul3A_156 : i32
      %add3A_158 = arith.constant 48 : i32
      %add3A_159 = arith.addi %mul3A_157, %add3A_158 : i32
      %get3A_160 = arith.index_cast %add3A_159 : i32 to index
      %get3A_161 = tpu.vector_load %arg4[%get3A_160] {strides = array<i32>} : memref<8192xi32, #tpu.memory_space<vmem>>, vector<16xi32>,
      %get3A_162 = arith.index_cast %add3A_159 : i32 to index
      %get3A_163 = tpu.vector_load %arg5[%get3A_162] {strides = array<i32>} : memref<8192xi32, #tpu.memory_space<vmem>>, vector<16xi32>,
      %ge3A_164 = vector.broadcast %add3A_7 : i32 to vector<16xi32>
      %ge3A_165 = arith.cmpi sge, %get3A_163, %ge3A_164 : vector<16xi32>
      %add3A_166 = arith.constant 32 : i32
      %add3A_167 = arith.addi %add3A_7, %add3A_166 : i32
      %lt3A_168 = vector.broadcast %add3A_167 : i32 to vector<16xi32>
      %lt3A_169 = arith.cmpi slt, %get3A_163, %lt3A_168 : vector<16xi32>
      %and3A_170 = arith.andi %ge3A_165, %lt3A_169 : vector<16xi1>
      %sub3A_171 = vector.broadcast %add3A_7 : i32 to vector<16xi32>
      %sub3A_172 = arith.subi %get3A_163, %sub3A_171 : vector<16xi32>
      %mul3A_173 = arith.constant 2048 : i32
      %mul3A_174 = vector.broadcast %mul3A_173 : i32 to vector<16xi32>
      %mul3A_175 = arith.muli %sub3A_172, %mul3A_174 : vector<16xi32>
      %add3A_176 = arith.addi %mul3A_175, %get3A_161 : vector<16xi32>
      %jit3A_177 = arith.constant 0 : i32
      %broadcast_in_dim3A_178 = vector.broadcast %jit3A_177 : i32 to vector<16xi32>
      %select_n3A_179 = arith.select %and3A_170, %add3A_176, %broadcast_in_dim3A_178 : vector<16xi1>, vector<16xi32>
      tpu.vector_store_idx %arg6[%select_n3A_179], %broadcast_in_dim3A_3 masked %and3A_170 {add = true} : memref<65536xf32, #tpu.memory_space<vmem>>[vector<16xi32>], vector<16xf32>, vector<16xi1>
    }
    %scan3A_35 = arith.constant 128 : i32
    %run_scoped3A_36 = arith.constant 0 : i32
    "tpu.region"() ({
      %run_scoped3A_90 = tpu.sem_alloc : memref<!tpu.dma_semaphore, #tpu.memory_space<semaphore_mem>>
      %dma_start3A = arith.constant 24576 : i32
      %dma_start3A_91 = tpu.memref_slice %arg2[%run_scoped3A_36, %dma_start3A] : memref<2x32768xi32, #tpu.memory_space<hbm>> -> memref<1x8192xi32, #tpu.memory_space<hbm>>
      %dma_start3A_92 = tpu.memref_squeeze %dma_start3A_91 : memref<1x8192xi32, #tpu.memory_space<hbm>> -> memref<8192xi32, #tpu.memory_space<hbm>>
      %dma_start3A_93 = arith.constant 24576 : i32
      %dma_start3A_94 = tpu.memref_slice %arg2[%run_scoped3A_36, %dma_start3A_93] : memref<2x32768xi32, #tpu.memory_space<hbm>> -> memref<1x8192xi32, #tpu.memory_space<hbm>>
      %dma_start3A_95 = tpu.memref_squeeze %dma_start3A_94 : memref<1x8192xi32, #tpu.memory_space<hbm>> -> memref<8192xi32, #tpu.memory_space<hbm>>
      tpu.enqueue_dma source(%dma_start3A_95 : memref<8192xi32, #tpu.memory_space<hbm>>) target(%arg4 : memref<8192xi32, #tpu.memory_space<vmem>>) target_semaphore(%run_scoped3A_90 : memref<!tpu.dma_semaphore, #tpu.memory_space<semaphore_mem>>)
      %dma_wait3A = arith.constant 24576 : i32
      %dma_wait3A_96 = tpu.memref_slice %arg2[%run_scoped3A_36, %dma_wait3A] : memref<2x32768xi32, #tpu.memory_space<hbm>> -> memref<1x8192xi32, #tpu.memory_space<hbm>>
      %dma_wait3A_97 = tpu.memref_squeeze %dma_wait3A_96 : memref<1x8192xi32, #tpu.memory_space<hbm>> -> memref<8192xi32, #tpu.memory_space<hbm>>
      %dma_wait3A_98 = arith.constant 24576 : i32
      %dma_wait3A_99 = tpu.memref_slice %arg2[%run_scoped3A_36, %dma_wait3A_98] : memref<2x32768xi32, #tpu.memory_space<hbm>> -> memref<1x8192xi32, #tpu.memory_space<hbm>>
      %dma_wait3A_100 = tpu.memref_squeeze %dma_wait3A_99 : memref<1x8192xi32, #tpu.memory_space<hbm>> -> memref<8192xi32, #tpu.memory_space<hbm>>
      tpu.wait_dma2 semaphore(%run_scoped3A_90 : memref<!tpu.dma_semaphore, #tpu.memory_space<semaphore_mem>>) src(%dma_wait3A_100 : memref<8192xi32, #tpu.memory_space<hbm>>) dst(%arg4 : memref<8192xi32, #tpu.memory_space<vmem>>)
      tpu.yield
    }) : () -> ()
    %run_scoped3A_37 = arith.constant 1 : i32
    "tpu.region"() ({
      %run_scoped3A_90 = tpu.sem_alloc : memref<!tpu.dma_semaphore, #tpu.memory_space<semaphore_mem>>
      %dma_start3A = arith.constant 24576 : i32
      %dma_start3A_91 = tpu.memref_slice %arg2[%run_scoped3A_37, %dma_start3A] : memref<2x32768xi32, #tpu.memory_space<hbm>> -> memref<1x8192xi32, #tpu.memory_space<hbm>>
      %dma_start3A_92 = tpu.memref_squeeze %dma_start3A_91 : memref<1x8192xi32, #tpu.memory_space<hbm>> -> memref<8192xi32, #tpu.memory_space<hbm>>
      %dma_start3A_93 = arith.constant 24576 : i32
      %dma_start3A_94 = tpu.memref_slice %arg2[%run_scoped3A_37, %dma_start3A_93] : memref<2x32768xi32, #tpu.memory_space<hbm>> -> memref<1x8192xi32, #tpu.memory_space<hbm>>
      %dma_start3A_95 = tpu.memref_squeeze %dma_start3A_94 : memref<1x8192xi32, #tpu.memory_space<hbm>> -> memref<8192xi32, #tpu.memory_space<hbm>>
      tpu.enqueue_dma source(%dma_start3A_95 : memref<8192xi32, #tpu.memory_space<hbm>>) target(%arg5 : memref<8192xi32, #tpu.memory_space<vmem>>) target_semaphore(%run_scoped3A_90 : memref<!tpu.dma_semaphore, #tpu.memory_space<semaphore_mem>>)
      %dma_wait3A = arith.constant 24576 : i32
      %dma_wait3A_96 = tpu.memref_slice %arg2[%run_scoped3A_37, %dma_wait3A] : memref<2x32768xi32, #tpu.memory_space<hbm>> -> memref<1x8192xi32, #tpu.memory_space<hbm>>
      %dma_wait3A_97 = tpu.memref_squeeze %dma_wait3A_96 : memref<1x8192xi32, #tpu.memory_space<hbm>> -> memref<8192xi32, #tpu.memory_space<hbm>>
      %dma_wait3A_98 = arith.constant 24576 : i32
      %dma_wait3A_99 = tpu.memref_slice %arg2[%run_scoped3A_37, %dma_wait3A_98] : memref<2x32768xi32, #tpu.memory_space<hbm>> -> memref<1x8192xi32, #tpu.memory_space<hbm>>
      %dma_wait3A_100 = tpu.memref_squeeze %dma_wait3A_99 : memref<1x8192xi32, #tpu.memory_space<hbm>> -> memref<8192xi32, #tpu.memory_space<hbm>>
      tpu.wait_dma2 semaphore(%run_scoped3A_90 : memref<!tpu.dma_semaphore, #tpu.memory_space<semaphore_mem>>) src(%dma_wait3A_100 : memref<8192xi32, #tpu.memory_space<hbm>>) dst(%arg5 : memref<8192xi32, #tpu.memory_space<vmem>>)
      tpu.yield
    }) : () -> ()
    %scan3A_38 = arith.constant 0 : i32
    %scan3A_39 = arith.constant 0 : i32
    %scan3A_40 = arith.constant 128 : i32
    %scan3A_41 = arith.addi %scan3A_39, %scan3A_40 : i32
    %scan3A_42 = arith.constant 1 : i32
    scf.for %scan3A_90 = %scan3A_39 to %scan3A_41 step %scan3A_42  : i32 {
      %mul3A_91 = arith.constant 64 : i32
      %mul3A_92 = arith.muli %scan3A_90, %mul3A_91 : i32
      %add3A_93 = arith.constant 0 : i32
      %add3A_94 = arith.addi %mul3A_92, %add3A_93 : i32
      %get3A = arith.index_cast %add3A_94 : i32 to index
      %get3A_95 = tpu.vector_load %arg4[%get3A] {strides = array<i32>} : memref<8192xi32, #tpu.memory_space<vmem>>, vector<16xi32>,
      %get3A_96 = arith.index_cast %add3A_94 : i32 to index
      %get3A_97 = tpu.vector_load %arg5[%get3A_96] {strides = array<i32>} : memref<8192xi32, #tpu.memory_space<vmem>>, vector<16xi32>,
      %ge3A = vector.broadcast %add3A_7 : i32 to vector<16xi32>
      %ge3A_98 = arith.cmpi sge, %get3A_97, %ge3A : vector<16xi32>
      %add3A_99 = arith.constant 32 : i32
      %add3A_100 = arith.addi %add3A_7, %add3A_99 : i32
      %lt3A = vector.broadcast %add3A_100 : i32 to vector<16xi32>
      %lt3A_101 = arith.cmpi slt, %get3A_97, %lt3A : vector<16xi32>
      %and3A = arith.andi %ge3A_98, %lt3A_101 : vector<16xi1>
      %sub3A = vector.broadcast %add3A_7 : i32 to vector<16xi32>
      %sub3A_102 = arith.subi %get3A_97, %sub3A : vector<16xi32>
      %mul3A_103 = arith.constant 2048 : i32
      %mul3A_104 = vector.broadcast %mul3A_103 : i32 to vector<16xi32>
      %mul3A_105 = arith.muli %sub3A_102, %mul3A_104 : vector<16xi32>
      %add3A_106 = arith.addi %mul3A_105, %get3A_95 : vector<16xi32>
      %jit3A = arith.constant 0 : i32
      %broadcast_in_dim3A_107 = vector.broadcast %jit3A : i32 to vector<16xi32>
      %select_n3A = arith.select %and3A, %add3A_106, %broadcast_in_dim3A_107 : vector<16xi1>, vector<16xi32>
      tpu.vector_store_idx %arg6[%select_n3A], %broadcast_in_dim3A_3 masked %and3A {add = true} : memref<65536xf32, #tpu.memory_space<vmem>>[vector<16xi32>], vector<16xf32>, vector<16xi1>
      %mul3A_108 = arith.constant 64 : i32
      %mul3A_109 = arith.muli %scan3A_90, %mul3A_108 : i32
      %add3A_110 = arith.constant 16 : i32
      %add3A_111 = arith.addi %mul3A_109, %add3A_110 : i32
      %get3A_112 = arith.index_cast %add3A_111 : i32 to index
      %get3A_113 = tpu.vector_load %arg4[%get3A_112] {strides = array<i32>} : memref<8192xi32, #tpu.memory_space<vmem>>, vector<16xi32>,
      %get3A_114 = arith.index_cast %add3A_111 : i32 to index
      %get3A_115 = tpu.vector_load %arg5[%get3A_114] {strides = array<i32>} : memref<8192xi32, #tpu.memory_space<vmem>>, vector<16xi32>,
      %ge3A_116 = vector.broadcast %add3A_7 : i32 to vector<16xi32>
      %ge3A_117 = arith.cmpi sge, %get3A_115, %ge3A_116 : vector<16xi32>
      %add3A_118 = arith.constant 32 : i32
      %add3A_119 = arith.addi %add3A_7, %add3A_118 : i32
      %lt3A_120 = vector.broadcast %add3A_119 : i32 to vector<16xi32>
      %lt3A_121 = arith.cmpi slt, %get3A_115, %lt3A_120 : vector<16xi32>
      %and3A_122 = arith.andi %ge3A_117, %lt3A_121 : vector<16xi1>
      %sub3A_123 = vector.broadcast %add3A_7 : i32 to vector<16xi32>
      %sub3A_124 = arith.subi %get3A_115, %sub3A_123 : vector<16xi32>
      %mul3A_125 = arith.constant 2048 : i32
      %mul3A_126 = vector.broadcast %mul3A_125 : i32 to vector<16xi32>
      %mul3A_127 = arith.muli %sub3A_124, %mul3A_126 : vector<16xi32>
      %add3A_128 = arith.addi %mul3A_127, %get3A_113 : vector<16xi32>
      %jit3A_129 = arith.constant 0 : i32
      %broadcast_in_dim3A_130 = vector.broadcast %jit3A_129 : i32 to vector<16xi32>
      %select_n3A_131 = arith.select %and3A_122, %add3A_128, %broadcast_in_dim3A_130 : vector<16xi1>, vector<16xi32>
      tpu.vector_store_idx %arg6[%select_n3A_131], %broadcast_in_dim3A_3 masked %and3A_122 {add = true} : memref<65536xf32, #tpu.memory_space<vmem>>[vector<16xi32>], vector<16xf32>, vector<16xi1>
      %mul3A_132 = arith.constant 64 : i32
      %mul3A_133 = arith.muli %scan3A_90, %mul3A_132 : i32
      %add3A_134 = arith.constant 32 : i32
      %add3A_135 = arith.addi %mul3A_133, %add3A_134 : i32
      %get3A_136 = arith.index_cast %add3A_135 : i32 to index
      %get3A_137 = tpu.vector_load %arg4[%get3A_136] {strides = array<i32>} : memref<8192xi32, #tpu.memory_space<vmem>>, vector<16xi32>,
      %get3A_138 = arith.index_cast %add3A_135 : i32 to index
      %get3A_139 = tpu.vector_load %arg5[%get3A_138] {strides = array<i32>} : memref<8192xi32, #tpu.memory_space<vmem>>, vector<16xi32>,
      %ge3A_140 = vector.broadcast %add3A_7 : i32 to vector<16xi32>
      %ge3A_141 = arith.cmpi sge, %get3A_139, %ge3A_140 : vector<16xi32>
      %add3A_142 = arith.constant 32 : i32
      %add3A_143 = arith.addi %add3A_7, %add3A_142 : i32
      %lt3A_144 = vector.broadcast %add3A_143 : i32 to vector<16xi32>
      %lt3A_145 = arith.cmpi slt, %get3A_139, %lt3A_144 : vector<16xi32>
      %and3A_146 = arith.andi %ge3A_141, %lt3A_145 : vector<16xi1>
      %sub3A_147 = vector.broadcast %add3A_7 : i32 to vector<16xi32>
      %sub3A_148 = arith.subi %get3A_139, %sub3A_147 : vector<16xi32>
      %mul3A_149 = arith.constant 2048 : i32
      %mul3A_150 = vector.broadcast %mul3A_149 : i32 to vector<16xi32>
      %mul3A_151 = arith.muli %sub3A_148, %mul3A_150 : vector<16xi32>
      %add3A_152 = arith.addi %mul3A_151, %get3A_137 : vector<16xi32>
      %jit3A_153 = arith.constant 0 : i32
      %broadcast_in_dim3A_154 = vector.broadcast %jit3A_153 : i32 to vector<16xi32>
      %select_n3A_155 = arith.select %and3A_146, %add3A_152, %broadcast_in_dim3A_154 : vector<16xi1>, vector<16xi32>
      tpu.vector_store_idx %arg6[%select_n3A_155], %broadcast_in_dim3A_3 masked %and3A_146 {add = true} : memref<65536xf32, #tpu.memory_space<vmem>>[vector<16xi32>], vector<16xf32>, vector<16xi1>
      %mul3A_156 = arith.constant 64 : i32
      %mul3A_157 = arith.muli %scan3A_90, %mul3A_156 : i32
      %add3A_158 = arith.constant 48 : i32
      %add3A_159 = arith.addi %mul3A_157, %add3A_158 : i32
      %get3A_160 = arith.index_cast %add3A_159 : i32 to index
      %get3A_161 = tpu.vector_load %arg4[%get3A_160] {strides = array<i32>} : memref<8192xi32, #tpu.memory_space<vmem>>, vector<16xi32>,
      %get3A_162 = arith.index_cast %add3A_159 : i32 to index
      %get3A_163 = tpu.vector_load %arg5[%get3A_162] {strides = array<i32>} : memref<8192xi32, #tpu.memory_space<vmem>>, vector<16xi32>,
      %ge3A_164 = vector.broadcast %add3A_7 : i32 to vector<16xi32>
      %ge3A_165 = arith.cmpi sge, %get3A_163, %ge3A_164 : vector<16xi32>
      %add3A_166 = arith.constant 32 : i32
      %add3A_167 = arith.addi %add3A_7, %add3A_166 : i32
      %lt3A_168 = vector.broadcast %add3A_167 : i32 to vector<16xi32>
      %lt3A_169 = arith.cmpi slt, %get3A_163, %lt3A_168 : vector<16xi32>
      %and3A_170 = arith.andi %ge3A_165, %lt3A_169 : vector<16xi1>
      %sub3A_171 = vector.broadcast %add3A_7 : i32 to vector<16xi32>
      %sub3A_172 = arith.subi %get3A_163, %sub3A_171 : vector<16xi32>
      %mul3A_173 = arith.constant 2048 : i32
      %mul3A_174 = vector.broadcast %mul3A_173 : i32 to vector<16xi32>
      %mul3A_175 = arith.muli %sub3A_172, %mul3A_174 : vector<16xi32>
      %add3A_176 = arith.addi %mul3A_175, %get3A_161 : vector<16xi32>
      %jit3A_177 = arith.constant 0 : i32
      %broadcast_in_dim3A_178 = vector.broadcast %jit3A_177 : i32 to vector<16xi32>
      %select_n3A_179 = arith.select %and3A_170, %add3A_176, %broadcast_in_dim3A_178 : vector<16xi1>, vector<16xi32>
      tpu.vector_store_idx %arg6[%select_n3A_179], %broadcast_in_dim3A_3 masked %and3A_170 {add = true} : memref<65536xf32, #tpu.memory_space<vmem>>[vector<16xi32>], vector<16xf32>, vector<16xi1>
    }
    %scan3A_43 = arith.constant 128 : i32
    %mul3A_44 = arith.constant 2048 : i32
    %mul3A_45 = arith.muli %add3A_7, %mul3A_44 : i32
    "tpu.region"() ({
      %run_scoped3A_90 = tpu.sem_alloc : memref<!tpu.dma_semaphore, #tpu.memory_space<semaphore_mem>>
      %dma_start3A = tpu.memref_slice %arg3[%mul3A_45] : memref<4194304xf32, #tpu.memory_space<hbm>> -> memref<65536xf32, #tpu.memory_space<hbm>>
      %dma_start3A_91 = tpu.memref_slice %arg3[%mul3A_45] : memref<4194304xf32, #tpu.memory_space<hbm>> -> memref<65536xf32, #tpu.memory_space<hbm>>
      tpu.enqueue_dma source(%arg6 : memref<65536xf32, #tpu.memory_space<vmem>>) target(%dma_start3A_91 : memref<65536xf32, #tpu.memory_space<hbm>>) target_semaphore(%run_scoped3A_90 : memref<!tpu.dma_semaphore, #tpu.memory_space<semaphore_mem>>)
      %dma_wait3A = tpu.memref_slice %arg3[%mul3A_45] : memref<4194304xf32, #tpu.memory_space<hbm>> -> memref<65536xf32, #tpu.memory_space<hbm>>
      %dma_wait3A_92 = tpu.memref_slice %arg3[%mul3A_45] : memref<4194304xf32, #tpu.memory_space<hbm>> -> memref<65536xf32, #tpu.memory_space<hbm>>
      tpu.wait_dma2 semaphore(%run_scoped3A_90 : memref<!tpu.dma_semaphore, #tpu.memory_space<semaphore_mem>>) src(%arg6 : memref<65536xf32, #tpu.memory_space<vmem>>) dst(%dma_wait3A_92 : memref<65536xf32, #tpu.memory_space<hbm>>)
      tpu.yield
    }) : () -> ()
    %mul3A_46 = arith.constant 64 : i32
    %mul3A_47 = arith.muli %add3A, %mul3A_46 : i32
    %add3A_48 = arith.constant 32 : i32
    %add3A_49 = arith.addi %mul3A_47, %add3A_48 : i32
    %scan3A_50 = arith.constant 0 : i32
    %scan3A_51 = arith.constant 0 : i32
    %scan3A_52 = arith.constant 512 : i32
    %scan3A_53 = arith.addi %scan3A_51, %scan3A_52 : i32
    %scan3A_54 = arith.constant 1 : i32
    scf.for %scan3A_90 = %scan3A_51 to %scan3A_53 step %scan3A_54  : i32 {
      %mul3A_91 = arith.constant 128 : i32
      %mul3A_92 = arith.muli %scan3A_90, %mul3A_91 : i32
      %add3A_93 = arith.constant 0 : i32
      %add3A_94 = arith.addi %mul3A_92, %add3A_93 : i32
      %swap3A = arith.index_cast %add3A_94 : i32 to index
      %swap3A_95 = tpu.vector_load %arg6[%swap3A] {strides = array<i32>} : memref<65536xf32, #tpu.memory_space<vmem>>, vector<16xf32>,
      tpu.vector_store %arg6[%swap3A], %broadcast_in_dim3A_1 {strides = array<i32>} : memref<65536xf32, #tpu.memory_space<vmem>>, vector<16xf32>,
      %mul3A_96 = arith.constant 128 : i32
      %mul3A_97 = arith.muli %scan3A_90, %mul3A_96 : i32
      %add3A_98 = arith.constant 16 : i32
      %add3A_99 = arith.addi %mul3A_97, %add3A_98 : i32
      %swap3A_100 = arith.index_cast %add3A_99 : i32 to index
      %swap3A_101 = tpu.vector_load %arg6[%swap3A_100] {strides = array<i32>} : memref<65536xf32, #tpu.memory_space<vmem>>, vector<16xf32>,
      tpu.vector_store %arg6[%swap3A_100], %broadcast_in_dim3A_1 {strides = array<i32>} : memref<65536xf32, #tpu.memory_space<vmem>>, vector<16xf32>,
      %mul3A_102 = arith.constant 128 : i32
      %mul3A_103 = arith.muli %scan3A_90, %mul3A_102 : i32
      %add3A_104 = arith.constant 32 : i32
      %add3A_105 = arith.addi %mul3A_103, %add3A_104 : i32
      %swap3A_106 = arith.index_cast %add3A_105 : i32 to index
      %swap3A_107 = tpu.vector_load %arg6[%swap3A_106] {strides = array<i32>} : memref<65536xf32, #tpu.memory_space<vmem>>, vector<16xf32>,
      tpu.vector_store %arg6[%swap3A_106], %broadcast_in_dim3A_1 {strides = array<i32>} : memref<65536xf32, #tpu.memory_space<vmem>>, vector<16xf32>,
      %mul3A_108 = arith.constant 128 : i32
      %mul3A_109 = arith.muli %scan3A_90, %mul3A_108 : i32
      %add3A_110 = arith.constant 48 : i32
      %add3A_111 = arith.addi %mul3A_109, %add3A_110 : i32
      %swap3A_112 = arith.index_cast %add3A_111 : i32 to index
      %swap3A_113 = tpu.vector_load %arg6[%swap3A_112] {strides = array<i32>} : memref<65536xf32, #tpu.memory_space<vmem>>, vector<16xf32>,
      tpu.vector_store %arg6[%swap3A_112], %broadcast_in_dim3A_1 {strides = array<i32>} : memref<65536xf32, #tpu.memory_space<vmem>>, vector<16xf32>,
      %mul3A_114 = arith.constant 128 : i32
      %mul3A_115 = arith.muli %scan3A_90, %mul3A_114 : i32
      %add3A_116 = arith.constant 64 : i32
      %add3A_117 = arith.addi %mul3A_115, %add3A_116 : i32
      %swap3A_118 = arith.index_cast %add3A_117 : i32 to index
      %swap3A_119 = tpu.vector_load %arg6[%swap3A_118] {strides = array<i32>} : memref<65536xf32, #tpu.memory_space<vmem>>, vector<16xf32>,
      tpu.vector_store %arg6[%swap3A_118], %broadcast_in_dim3A_1 {strides = array<i32>} : memref<65536xf32, #tpu.memory_space<vmem>>, vector<16xf32>,
      %mul3A_120 = arith.constant 128 : i32
      %mul3A_121 = arith.muli %scan3A_90, %mul3A_120 : i32
      %add3A_122 = arith.constant 80 : i32
      %add3A_123 = arith.addi %mul3A_121, %add3A_122 : i32
      %swap3A_124 = arith.index_cast %add3A_123 : i32 to index
      %swap3A_125 = tpu.vector_load %arg6[%swap3A_124] {strides = array<i32>} : memref<65536xf32, #tpu.memory_space<vmem>>, vector<16xf32>,
      tpu.vector_store %arg6[%swap3A_124], %broadcast_in_dim3A_1 {strides = array<i32>} : memref<65536xf32, #tpu.memory_space<vmem>>, vector<16xf32>,
      %mul3A_126 = arith.constant 128 : i32
      %mul3A_127 = arith.muli %scan3A_90, %mul3A_126 : i32
      %add3A_128 = arith.constant 96 : i32
      %add3A_129 = arith.addi %mul3A_127, %add3A_128 : i32
      %swap3A_130 = arith.index_cast %add3A_129 : i32 to index
      %swap3A_131 = tpu.vector_load %arg6[%swap3A_130] {strides = array<i32>} : memref<65536xf32, #tpu.memory_space<vmem>>, vector<16xf32>,
      tpu.vector_store %arg6[%swap3A_130], %broadcast_in_dim3A_1 {strides = array<i32>} : memref<65536xf32, #tpu.memory_space<vmem>>, vector<16xf32>,
      %mul3A_132 = arith.constant 128 : i32
      %mul3A_133 = arith.muli %scan3A_90, %mul3A_132 : i32
      %add3A_134 = arith.constant 112 : i32
      %add3A_135 = arith.addi %mul3A_133, %add3A_134 : i32
      %swap3A_136 = arith.index_cast %add3A_135 : i32 to index
      %swap3A_137 = tpu.vector_load %arg6[%swap3A_136] {strides = array<i32>} : memref<65536xf32, #tpu.memory_space<vmem>>, vector<16xf32>,
      tpu.vector_store %arg6[%swap3A_136], %broadcast_in_dim3A_1 {strides = array<i32>} : memref<65536xf32, #tpu.memory_space<vmem>>, vector<16xf32>,
    }
    %scan3A_55 = arith.constant 512 : i32
    %run_scoped3A_56 = arith.constant 0 : i32
    "tpu.region"() ({
      %run_scoped3A_90 = tpu.sem_alloc : memref<!tpu.dma_semaphore, #tpu.memory_space<semaphore_mem>>
      %dma_start3A = arith.constant 0 : i32
      %dma_start3A_91 = tpu.memref_slice %arg2[%run_scoped3A_56, %dma_start3A] : memref<2x32768xi32, #tpu.memory_space<hbm>> -> memref<1x8192xi32, #tpu.memory_space<hbm>>
      %dma_start3A_92 = tpu.memref_squeeze %dma_start3A_91 : memref<1x8192xi32, #tpu.memory_space<hbm>> -> memref<8192xi32, #tpu.memory_space<hbm>>
      %dma_start3A_93 = arith.constant 0 : i32
      %dma_start3A_94 = tpu.memref_slice %arg2[%run_scoped3A_56, %dma_start3A_93] : memref<2x32768xi32, #tpu.memory_space<hbm>> -> memref<1x8192xi32, #tpu.memory_space<hbm>>
      %dma_start3A_95 = tpu.memref_squeeze %dma_start3A_94 : memref<1x8192xi32, #tpu.memory_space<hbm>> -> memref<8192xi32, #tpu.memory_space<hbm>>
      tpu.enqueue_dma source(%dma_start3A_95 : memref<8192xi32, #tpu.memory_space<hbm>>) target(%arg4 : memref<8192xi32, #tpu.memory_space<vmem>>) target_semaphore(%run_scoped3A_90 : memref<!tpu.dma_semaphore, #tpu.memory_space<semaphore_mem>>)
      %dma_wait3A = arith.constant 0 : i32
      %dma_wait3A_96 = tpu.memref_slice %arg2[%run_scoped3A_56, %dma_wait3A] : memref<2x32768xi32, #tpu.memory_space<hbm>> -> memref<1x8192xi32, #tpu.memory_space<hbm>>
      %dma_wait3A_97 = tpu.memref_squeeze %dma_wait3A_96 : memref<1x8192xi32, #tpu.memory_space<hbm>> -> memref<8192xi32, #tpu.memory_space<hbm>>
      %dma_wait3A_98 = arith.constant 0 : i32
      %dma_wait3A_99 = tpu.memref_slice %arg2[%run_scoped3A_56, %dma_wait3A_98] : memref<2x32768xi32, #tpu.memory_space<hbm>> -> memref<1x8192xi32, #tpu.memory_space<hbm>>
      %dma_wait3A_100 = tpu.memref_squeeze %dma_wait3A_99 : memref<1x8192xi32, #tpu.memory_space<hbm>> -> memref<8192xi32, #tpu.memory_space<hbm>>
      tpu.wait_dma2 semaphore(%run_scoped3A_90 : memref<!tpu.dma_semaphore, #tpu.memory_space<semaphore_mem>>) src(%dma_wait3A_100 : memref<8192xi32, #tpu.memory_space<hbm>>) dst(%arg4 : memref<8192xi32, #tpu.memory_space<vmem>>)
      tpu.yield
    }) : () -> ()
    %run_scoped3A_57 = arith.constant 1 : i32
    "tpu.region"() ({
      %run_scoped3A_90 = tpu.sem_alloc : memref<!tpu.dma_semaphore, #tpu.memory_space<semaphore_mem>>
      %dma_start3A = arith.constant 0 : i32
      %dma_start3A_91 = tpu.memref_slice %arg2[%run_scoped3A_57, %dma_start3A] : memref<2x32768xi32, #tpu.memory_space<hbm>> -> memref<1x8192xi32, #tpu.memory_space<hbm>>
      %dma_start3A_92 = tpu.memref_squeeze %dma_start3A_91 : memref<1x8192xi32, #tpu.memory_space<hbm>> -> memref<8192xi32, #tpu.memory_space<hbm>>
      %dma_start3A_93 = arith.constant 0 : i32
      %dma_start3A_94 = tpu.memref_slice %arg2[%run_scoped3A_57, %dma_start3A_93] : memref<2x32768xi32, #tpu.memory_space<hbm>> -> memref<1x8192xi32, #tpu.memory_space<hbm>>
      %dma_start3A_95 = tpu.memref_squeeze %dma_start3A_94 : memref<1x8192xi32, #tpu.memory_space<hbm>> -> memref<8192xi32, #tpu.memory_space<hbm>>
      tpu.enqueue_dma source(%dma_start3A_95 : memref<8192xi32, #tpu.memory_space<hbm>>) target(%arg5 : memref<8192xi32, #tpu.memory_space<vmem>>) target_semaphore(%run_scoped3A_90 : memref<!tpu.dma_semaphore, #tpu.memory_space<semaphore_mem>>)
      %dma_wait3A = arith.constant 0 : i32
      %dma_wait3A_96 = tpu.memref_slice %arg2[%run_scoped3A_57, %dma_wait3A] : memref<2x32768xi32, #tpu.memory_space<hbm>> -> memref<1x8192xi32, #tpu.memory_space<hbm>>
      %dma_wait3A_97 = tpu.memref_squeeze %dma_wait3A_96 : memref<1x8192xi32, #tpu.memory_space<hbm>> -> memref<8192xi32, #tpu.memory_space<hbm>>
      %dma_wait3A_98 = arith.constant 0 : i32
      %dma_wait3A_99 = tpu.memref_slice %arg2[%run_scoped3A_57, %dma_wait3A_98] : memref<2x32768xi32, #tpu.memory_space<hbm>> -> memref<1x8192xi32, #tpu.memory_space<hbm>>
      %dma_wait3A_100 = tpu.memref_squeeze %dma_wait3A_99 : memref<1x8192xi32, #tpu.memory_space<hbm>> -> memref<8192xi32, #tpu.memory_space<hbm>>
      tpu.wait_dma2 semaphore(%run_scoped3A_90 : memref<!tpu.dma_semaphore, #tpu.memory_space<semaphore_mem>>) src(%dma_wait3A_100 : memref<8192xi32, #tpu.memory_space<hbm>>) dst(%arg5 : memref<8192xi32, #tpu.memory_space<vmem>>)
      tpu.yield
    }) : () -> ()
    %scan3A_58 = arith.constant 0 : i32
    %scan3A_59 = arith.constant 0 : i32
    %scan3A_60 = arith.constant 128 : i32
    %scan3A_61 = arith.addi %scan3A_59, %scan3A_60 : i32
    %scan3A_62 = arith.constant 1 : i32
    scf.for %scan3A_90 = %scan3A_59 to %scan3A_61 step %scan3A_62  : i32 {
      %mul3A_91 = arith.constant 64 : i32
      %mul3A_92 = arith.muli %scan3A_90, %mul3A_91 : i32
      %add3A_93 = arith.constant 0 : i32
      %add3A_94 = arith.addi %mul3A_92, %add3A_93 : i32
      %get3A = arith.index_cast %add3A_94 : i32 to index
      %get3A_95 = tpu.vector_load %arg4[%get3A] {strides = array<i32>} : memref<8192xi32, #tpu.memory_space<vmem>>, vector<16xi32>,
      %get3A_96 = arith.index_cast %add3A_94 : i32 to index
      %get3A_97 = tpu.vector_load %arg5[%get3A_96] {strides = array<i32>} : memref<8192xi32, #tpu.memory_space<vmem>>, vector<16xi32>,
      %ge3A = vector.broadcast %add3A_49 : i32 to vector<16xi32>
      %ge3A_98 = arith.cmpi sge, %get3A_97, %ge3A : vector<16xi32>
      %add3A_99 = arith.constant 32 : i32
      %add3A_100 = arith.addi %add3A_49, %add3A_99 : i32
      %lt3A = vector.broadcast %add3A_100 : i32 to vector<16xi32>
      %lt3A_101 = arith.cmpi slt, %get3A_97, %lt3A : vector<16xi32>
      %and3A = arith.andi %ge3A_98, %lt3A_101 : vector<16xi1>
      %sub3A = vector.broadcast %add3A_49 : i32 to vector<16xi32>
      %sub3A_102 = arith.subi %get3A_97, %sub3A : vector<16xi32>
      %mul3A_103 = arith.constant 2048 : i32
      %mul3A_104 = vector.broadcast %mul3A_103 : i32 to vector<16xi32>
      %mul3A_105 = arith.muli %sub3A_102, %mul3A_104 : vector<16xi32>
      %add3A_106 = arith.addi %mul3A_105, %get3A_95 : vector<16xi32>
      %jit3A = arith.constant 0 : i32
      %broadcast_in_dim3A_107 = vector.broadcast %jit3A : i32 to vector<16xi32>
      %select_n3A = arith.select %and3A, %add3A_106, %broadcast_in_dim3A_107 : vector<16xi1>, vector<16xi32>
      tpu.vector_store_idx %arg6[%select_n3A], %broadcast_in_dim3A_3 masked %and3A {add = true} : memref<65536xf32, #tpu.memory_space<vmem>>[vector<16xi32>], vector<16xf32>, vector<16xi1>
      %mul3A_108 = arith.constant 64 : i32
      %mul3A_109 = arith.muli %scan3A_90, %mul3A_108 : i32
      %add3A_110 = arith.constant 16 : i32
      %add3A_111 = arith.addi %mul3A_109, %add3A_110 : i32
      %get3A_112 = arith.index_cast %add3A_111 : i32 to index
      %get3A_113 = tpu.vector_load %arg4[%get3A_112] {strides = array<i32>} : memref<8192xi32, #tpu.memory_space<vmem>>, vector<16xi32>,
      %get3A_114 = arith.index_cast %add3A_111 : i32 to index
      %get3A_115 = tpu.vector_load %arg5[%get3A_114] {strides = array<i32>} : memref<8192xi32, #tpu.memory_space<vmem>>, vector<16xi32>,
      %ge3A_116 = vector.broadcast %add3A_49 : i32 to vector<16xi32>
      %ge3A_117 = arith.cmpi sge, %get3A_115, %ge3A_116 : vector<16xi32>
      %add3A_118 = arith.constant 32 : i32
      %add3A_119 = arith.addi %add3A_49, %add3A_118 : i32
      %lt3A_120 = vector.broadcast %add3A_119 : i32 to vector<16xi32>
      %lt3A_121 = arith.cmpi slt, %get3A_115, %lt3A_120 : vector<16xi32>
      %and3A_122 = arith.andi %ge3A_117, %lt3A_121 : vector<16xi1>
      %sub3A_123 = vector.broadcast %add3A_49 : i32 to vector<16xi32>
      %sub3A_124 = arith.subi %get3A_115, %sub3A_123 : vector<16xi32>
      %mul3A_125 = arith.constant 2048 : i32
      %mul3A_126 = vector.broadcast %mul3A_125 : i32 to vector<16xi32>
      %mul3A_127 = arith.muli %sub3A_124, %mul3A_126 : vector<16xi32>
      %add3A_128 = arith.addi %mul3A_127, %get3A_113 : vector<16xi32>
      %jit3A_129 = arith.constant 0 : i32
      %broadcast_in_dim3A_130 = vector.broadcast %jit3A_129 : i32 to vector<16xi32>
      %select_n3A_131 = arith.select %and3A_122, %add3A_128, %broadcast_in_dim3A_130 : vector<16xi1>, vector<16xi32>
      tpu.vector_store_idx %arg6[%select_n3A_131], %broadcast_in_dim3A_3 masked %and3A_122 {add = true} : memref<65536xf32, #tpu.memory_space<vmem>>[vector<16xi32>], vector<16xf32>, vector<16xi1>
      %mul3A_132 = arith.constant 64 : i32
      %mul3A_133 = arith.muli %scan3A_90, %mul3A_132 : i32
      %add3A_134 = arith.constant 32 : i32
      %add3A_135 = arith.addi %mul3A_133, %add3A_134 : i32
      %get3A_136 = arith.index_cast %add3A_135 : i32 to index
      %get3A_137 = tpu.vector_load %arg4[%get3A_136] {strides = array<i32>} : memref<8192xi32, #tpu.memory_space<vmem>>, vector<16xi32>,
      %get3A_138 = arith.index_cast %add3A_135 : i32 to index
      %get3A_139 = tpu.vector_load %arg5[%get3A_138] {strides = array<i32>} : memref<8192xi32, #tpu.memory_space<vmem>>, vector<16xi32>,
      %ge3A_140 = vector.broadcast %add3A_49 : i32 to vector<16xi32>
      %ge3A_141 = arith.cmpi sge, %get3A_139, %ge3A_140 : vector<16xi32>
      %add3A_142 = arith.constant 32 : i32
      %add3A_143 = arith.addi %add3A_49, %add3A_142 : i32
      %lt3A_144 = vector.broadcast %add3A_143 : i32 to vector<16xi32>
      %lt3A_145 = arith.cmpi slt, %get3A_139, %lt3A_144 : vector<16xi32>
      %and3A_146 = arith.andi %ge3A_141, %lt3A_145 : vector<16xi1>
      %sub3A_147 = vector.broadcast %add3A_49 : i32 to vector<16xi32>
      %sub3A_148 = arith.subi %get3A_139, %sub3A_147 : vector<16xi32>
      %mul3A_149 = arith.constant 2048 : i32
      %mul3A_150 = vector.broadcast %mul3A_149 : i32 to vector<16xi32>
      %mul3A_151 = arith.muli %sub3A_148, %mul3A_150 : vector<16xi32>
      %add3A_152 = arith.addi %mul3A_151, %get3A_137 : vector<16xi32>
      %jit3A_153 = arith.constant 0 : i32
      %broadcast_in_dim3A_154 = vector.broadcast %jit3A_153 : i32 to vector<16xi32>
      %select_n3A_155 = arith.select %and3A_146, %add3A_152, %broadcast_in_dim3A_154 : vector<16xi1>, vector<16xi32>
      tpu.vector_store_idx %arg6[%select_n3A_155], %broadcast_in_dim3A_3 masked %and3A_146 {add = true} : memref<65536xf32, #tpu.memory_space<vmem>>[vector<16xi32>], vector<16xf32>, vector<16xi1>
      %mul3A_156 = arith.constant 64 : i32
      %mul3A_157 = arith.muli %scan3A_90, %mul3A_156 : i32
      %add3A_158 = arith.constant 48 : i32
      %add3A_159 = arith.addi %mul3A_157, %add3A_158 : i32
      %get3A_160 = arith.index_cast %add3A_159 : i32 to index
      %get3A_161 = tpu.vector_load %arg4[%get3A_160] {strides = array<i32>} : memref<8192xi32, #tpu.memory_space<vmem>>, vector<16xi32>,
      %get3A_162 = arith.index_cast %add3A_159 : i32 to index
      %get3A_163 = tpu.vector_load %arg5[%get3A_162] {strides = array<i32>} : memref<8192xi32, #tpu.memory_space<vmem>>, vector<16xi32>,
      %ge3A_164 = vector.broadcast %add3A_49 : i32 to vector<16xi32>
      %ge3A_165 = arith.cmpi sge, %get3A_163, %ge3A_164 : vector<16xi32>
      %add3A_166 = arith.constant 32 : i32
      %add3A_167 = arith.addi %add3A_49, %add3A_166 : i32
      %lt3A_168 = vector.broadcast %add3A_167 : i32 to vector<16xi32>
      %lt3A_169 = arith.cmpi slt, %get3A_163, %lt3A_168 : vector<16xi32>
      %and3A_170 = arith.andi %ge3A_165, %lt3A_169 : vector<16xi1>
      %sub3A_171 = vector.broadcast %add3A_49 : i32 to vector<16xi32>
      %sub3A_172 = arith.subi %get3A_163, %sub3A_171 : vector<16xi32>
      %mul3A_173 = arith.constant 2048 : i32
      %mul3A_174 = vector.broadcast %mul3A_173 : i32 to vector<16xi32>
      %mul3A_175 = arith.muli %sub3A_172, %mul3A_174 : vector<16xi32>
      %add3A_176 = arith.addi %mul3A_175, %get3A_161 : vector<16xi32>
      %jit3A_177 = arith.constant 0 : i32
      %broadcast_in_dim3A_178 = vector.broadcast %jit3A_177 : i32 to vector<16xi32>
      %select_n3A_179 = arith.select %and3A_170, %add3A_176, %broadcast_in_dim3A_178 : vector<16xi1>, vector<16xi32>
      tpu.vector_store_idx %arg6[%select_n3A_179], %broadcast_in_dim3A_3 masked %and3A_170 {add = true} : memref<65536xf32, #tpu.memory_space<vmem>>[vector<16xi32>], vector<16xf32>, vector<16xi1>
    }
    %scan3A_63 = arith.constant 128 : i32
    %run_scoped3A_64 = arith.constant 0 : i32
    "tpu.region"() ({
      %run_scoped3A_90 = tpu.sem_alloc : memref<!tpu.dma_semaphore, #tpu.memory_space<semaphore_mem>>
      %dma_start3A = arith.constant 8192 : i32
      %dma_start3A_91 = tpu.memref_slice %arg2[%run_scoped3A_64, %dma_start3A] : memref<2x32768xi32, #tpu.memory_space<hbm>> -> memref<1x8192xi32, #tpu.memory_space<hbm>>
      %dma_start3A_92 = tpu.memref_squeeze %dma_start3A_91 : memref<1x8192xi32, #tpu.memory_space<hbm>> -> memref<8192xi32, #tpu.memory_space<hbm>>
      %dma_start3A_93 = arith.constant 8192 : i32
      %dma_start3A_94 = tpu.memref_slice %arg2[%run_scoped3A_64, %dma_start3A_93] : memref<2x32768xi32, #tpu.memory_space<hbm>> -> memref<1x8192xi32, #tpu.memory_space<hbm>>
      %dma_start3A_95 = tpu.memref_squeeze %dma_start3A_94 : memref<1x8192xi32, #tpu.memory_space<hbm>> -> memref<8192xi32, #tpu.memory_space<hbm>>
      tpu.enqueue_dma source(%dma_start3A_95 : memref<8192xi32, #tpu.memory_space<hbm>>) target(%arg4 : memref<8192xi32, #tpu.memory_space<vmem>>) target_semaphore(%run_scoped3A_90 : memref<!tpu.dma_semaphore, #tpu.memory_space<semaphore_mem>>)
      %dma_wait3A = arith.constant 8192 : i32
      %dma_wait3A_96 = tpu.memref_slice %arg2[%run_scoped3A_64, %dma_wait3A] : memref<2x32768xi32, #tpu.memory_space<hbm>> -> memref<1x8192xi32, #tpu.memory_space<hbm>>
      %dma_wait3A_97 = tpu.memref_squeeze %dma_wait3A_96 : memref<1x8192xi32, #tpu.memory_space<hbm>> -> memref<8192xi32, #tpu.memory_space<hbm>>
      %dma_wait3A_98 = arith.constant 8192 : i32
      %dma_wait3A_99 = tpu.memref_slice %arg2[%run_scoped3A_64, %dma_wait3A_98] : memref<2x32768xi32, #tpu.memory_space<hbm>> -> memref<1x8192xi32, #tpu.memory_space<hbm>>
      %dma_wait3A_100 = tpu.memref_squeeze %dma_wait3A_99 : memref<1x8192xi32, #tpu.memory_space<hbm>> -> memref<8192xi32, #tpu.memory_space<hbm>>
      tpu.wait_dma2 semaphore(%run_scoped3A_90 : memref<!tpu.dma_semaphore, #tpu.memory_space<semaphore_mem>>) src(%dma_wait3A_100 : memref<8192xi32, #tpu.memory_space<hbm>>) dst(%arg4 : memref<8192xi32, #tpu.memory_space<vmem>>)
      tpu.yield
    }) : () -> ()
    %run_scoped3A_65 = arith.constant 1 : i32
    "tpu.region"() ({
      %run_scoped3A_90 = tpu.sem_alloc : memref<!tpu.dma_semaphore, #tpu.memory_space<semaphore_mem>>
      %dma_start3A = arith.constant 8192 : i32
      %dma_start3A_91 = tpu.memref_slice %arg2[%run_scoped3A_65, %dma_start3A] : memref<2x32768xi32, #tpu.memory_space<hbm>> -> memref<1x8192xi32, #tpu.memory_space<hbm>>
      %dma_start3A_92 = tpu.memref_squeeze %dma_start3A_91 : memref<1x8192xi32, #tpu.memory_space<hbm>> -> memref<8192xi32, #tpu.memory_space<hbm>>
      %dma_start3A_93 = arith.constant 8192 : i32
      %dma_start3A_94 = tpu.memref_slice %arg2[%run_scoped3A_65, %dma_start3A_93] : memref<2x32768xi32, #tpu.memory_space<hbm>> -> memref<1x8192xi32, #tpu.memory_space<hbm>>
      %dma_start3A_95 = tpu.memref_squeeze %dma_start3A_94 : memref<1x8192xi32, #tpu.memory_space<hbm>> -> memref<8192xi32, #tpu.memory_space<hbm>>
      tpu.enqueue_dma source(%dma_start3A_95 : memref<8192xi32, #tpu.memory_space<hbm>>) target(%arg5 : memref<8192xi32, #tpu.memory_space<vmem>>) target_semaphore(%run_scoped3A_90 : memref<!tpu.dma_semaphore, #tpu.memory_space<semaphore_mem>>)
      %dma_wait3A = arith.constant 8192 : i32
      %dma_wait3A_96 = tpu.memref_slice %arg2[%run_scoped3A_65, %dma_wait3A] : memref<2x32768xi32, #tpu.memory_space<hbm>> -> memref<1x8192xi32, #tpu.memory_space<hbm>>
      %dma_wait3A_97 = tpu.memref_squeeze %dma_wait3A_96 : memref<1x8192xi32, #tpu.memory_space<hbm>> -> memref<8192xi32, #tpu.memory_space<hbm>>
      %dma_wait3A_98 = arith.constant 8192 : i32
      %dma_wait3A_99 = tpu.memref_slice %arg2[%run_scoped3A_65, %dma_wait3A_98] : memref<2x32768xi32, #tpu.memory_space<hbm>> -> memref<1x8192xi32, #tpu.memory_space<hbm>>
      %dma_wait3A_100 = tpu.memref_squeeze %dma_wait3A_99 : memref<1x8192xi32, #tpu.memory_space<hbm>> -> memref<8192xi32, #tpu.memory_space<hbm>>
      tpu.wait_dma2 semaphore(%run_scoped3A_90 : memref<!tpu.dma_semaphore, #tpu.memory_space<semaphore_mem>>) src(%dma_wait3A_100 : memref<8192xi32, #tpu.memory_space<hbm>>) dst(%arg5 : memref<8192xi32, #tpu.memory_space<vmem>>)
      tpu.yield
    }) : () -> ()
    %scan3A_66 = arith.constant 0 : i32
    %scan3A_67 = arith.constant 0 : i32
    %scan3A_68 = arith.constant 128 : i32
    %scan3A_69 = arith.addi %scan3A_67, %scan3A_68 : i32
    %scan3A_70 = arith.constant 1 : i32
    scf.for %scan3A_90 = %scan3A_67 to %scan3A_69 step %scan3A_70  : i32 {
      %mul3A_91 = arith.constant 64 : i32
      %mul3A_92 = arith.muli %scan3A_90, %mul3A_91 : i32
      %add3A_93 = arith.constant 0 : i32
      %add3A_94 = arith.addi %mul3A_92, %add3A_93 : i32
      %get3A = arith.index_cast %add3A_94 : i32 to index
      %get3A_95 = tpu.vector_load %arg4[%get3A] {strides = array<i32>} : memref<8192xi32, #tpu.memory_space<vmem>>, vector<16xi32>,
      %get3A_96 = arith.index_cast %add3A_94 : i32 to index
      %get3A_97 = tpu.vector_load %arg5[%get3A_96] {strides = array<i32>} : memref<8192xi32, #tpu.memory_space<vmem>>, vector<16xi32>,
      %ge3A = vector.broadcast %add3A_49 : i32 to vector<16xi32>
      %ge3A_98 = arith.cmpi sge, %get3A_97, %ge3A : vector<16xi32>
      %add3A_99 = arith.constant 32 : i32
      %add3A_100 = arith.addi %add3A_49, %add3A_99 : i32
      %lt3A = vector.broadcast %add3A_100 : i32 to vector<16xi32>
      %lt3A_101 = arith.cmpi slt, %get3A_97, %lt3A : vector<16xi32>
      %and3A = arith.andi %ge3A_98, %lt3A_101 : vector<16xi1>
      %sub3A = vector.broadcast %add3A_49 : i32 to vector<16xi32>
      %sub3A_102 = arith.subi %get3A_97, %sub3A : vector<16xi32>
      %mul3A_103 = arith.constant 2048 : i32
      %mul3A_104 = vector.broadcast %mul3A_103 : i32 to vector<16xi32>
      %mul3A_105 = arith.muli %sub3A_102, %mul3A_104 : vector<16xi32>
      %add3A_106 = arith.addi %mul3A_105, %get3A_95 : vector<16xi32>
      %jit3A = arith.constant 0 : i32
      %broadcast_in_dim3A_107 = vector.broadcast %jit3A : i32 to vector<16xi32>
      %select_n3A = arith.select %and3A, %add3A_106, %broadcast_in_dim3A_107 : vector<16xi1>, vector<16xi32>
      tpu.vector_store_idx %arg6[%select_n3A], %broadcast_in_dim3A_3 masked %and3A {add = true} : memref<65536xf32, #tpu.memory_space<vmem>>[vector<16xi32>], vector<16xf32>, vector<16xi1>
      %mul3A_108 = arith.constant 64 : i32
      %mul3A_109 = arith.muli %scan3A_90, %mul3A_108 : i32
      %add3A_110 = arith.constant 16 : i32
      %add3A_111 = arith.addi %mul3A_109, %add3A_110 : i32
      %get3A_112 = arith.index_cast %add3A_111 : i32 to index
      %get3A_113 = tpu.vector_load %arg4[%get3A_112] {strides = array<i32>} : memref<8192xi32, #tpu.memory_space<vmem>>, vector<16xi32>,
      %get3A_114 = arith.index_cast %add3A_111 : i32 to index
      %get3A_115 = tpu.vector_load %arg5[%get3A_114] {strides = array<i32>} : memref<8192xi32, #tpu.memory_space<vmem>>, vector<16xi32>,
      %ge3A_116 = vector.broadcast %add3A_49 : i32 to vector<16xi32>
      %ge3A_117 = arith.cmpi sge, %get3A_115, %ge3A_116 : vector<16xi32>
      %add3A_118 = arith.constant 32 : i32
      %add3A_119 = arith.addi %add3A_49, %add3A_118 : i32
      %lt3A_120 = vector.broadcast %add3A_119 : i32 to vector<16xi32>
      %lt3A_121 = arith.cmpi slt, %get3A_115, %lt3A_120 : vector<16xi32>
      %and3A_122 = arith.andi %ge3A_117, %lt3A_121 : vector<16xi1>
      %sub3A_123 = vector.broadcast %add3A_49 : i32 to vector<16xi32>
      %sub3A_124 = arith.subi %get3A_115, %sub3A_123 : vector<16xi32>
      %mul3A_125 = arith.constant 2048 : i32
      %mul3A_126 = vector.broadcast %mul3A_125 : i32 to vector<16xi32>
      %mul3A_127 = arith.muli %sub3A_124, %mul3A_126 : vector<16xi32>
      %add3A_128 = arith.addi %mul3A_127, %get3A_113 : vector<16xi32>
      %jit3A_129 = arith.constant 0 : i32
      %broadcast_in_dim3A_130 = vector.broadcast %jit3A_129 : i32 to vector<16xi32>
      %select_n3A_131 = arith.select %and3A_122, %add3A_128, %broadcast_in_dim3A_130 : vector<16xi1>, vector<16xi32>
      tpu.vector_store_idx %arg6[%select_n3A_131], %broadcast_in_dim3A_3 masked %and3A_122 {add = true} : memref<65536xf32, #tpu.memory_space<vmem>>[vector<16xi32>], vector<16xf32>, vector<16xi1>
      %mul3A_132 = arith.constant 64 : i32
      %mul3A_133 = arith.muli %scan3A_90, %mul3A_132 : i32
      %add3A_134 = arith.constant 32 : i32
      %add3A_135 = arith.addi %mul3A_133, %add3A_134 : i32
      %get3A_136 = arith.index_cast %add3A_135 : i32 to index
      %get3A_137 = tpu.vector_load %arg4[%get3A_136] {strides = array<i32>} : memref<8192xi32, #tpu.memory_space<vmem>>, vector<16xi32>,
      %get3A_138 = arith.index_cast %add3A_135 : i32 to index
      %get3A_139 = tpu.vector_load %arg5[%get3A_138] {strides = array<i32>} : memref<8192xi32, #tpu.memory_space<vmem>>, vector<16xi32>,
      %ge3A_140 = vector.broadcast %add3A_49 : i32 to vector<16xi32>
      %ge3A_141 = arith.cmpi sge, %get3A_139, %ge3A_140 : vector<16xi32>
      %add3A_142 = arith.constant 32 : i32
      %add3A_143 = arith.addi %add3A_49, %add3A_142 : i32
      %lt3A_144 = vector.broadcast %add3A_143 : i32 to vector<16xi32>
      %lt3A_145 = arith.cmpi slt, %get3A_139, %lt3A_144 : vector<16xi32>
      %and3A_146 = arith.andi %ge3A_141, %lt3A_145 : vector<16xi1>
      %sub3A_147 = vector.broadcast %add3A_49 : i32 to vector<16xi32>
      %sub3A_148 = arith.subi %get3A_139, %sub3A_147 : vector<16xi32>
      %mul3A_149 = arith.constant 2048 : i32
      %mul3A_150 = vector.broadcast %mul3A_149 : i32 to vector<16xi32>
      %mul3A_151 = arith.muli %sub3A_148, %mul3A_150 : vector<16xi32>
      %add3A_152 = arith.addi %mul3A_151, %get3A_137 : vector<16xi32>
      %jit3A_153 = arith.constant 0 : i32
      %broadcast_in_dim3A_154 = vector.broadcast %jit3A_153 : i32 to vector<16xi32>
      %select_n3A_155 = arith.select %and3A_146, %add3A_152, %broadcast_in_dim3A_154 : vector<16xi1>, vector<16xi32>
      tpu.vector_store_idx %arg6[%select_n3A_155], %broadcast_in_dim3A_3 masked %and3A_146 {add = true} : memref<65536xf32, #tpu.memory_space<vmem>>[vector<16xi32>], vector<16xf32>, vector<16xi1>
      %mul3A_156 = arith.constant 64 : i32
      %mul3A_157 = arith.muli %scan3A_90, %mul3A_156 : i32
      %add3A_158 = arith.constant 48 : i32
      %add3A_159 = arith.addi %mul3A_157, %add3A_158 : i32
      %get3A_160 = arith.index_cast %add3A_159 : i32 to index
      %get3A_161 = tpu.vector_load %arg4[%get3A_160] {strides = array<i32>} : memref<8192xi32, #tpu.memory_space<vmem>>, vector<16xi32>,
      %get3A_162 = arith.index_cast %add3A_159 : i32 to index
      %get3A_163 = tpu.vector_load %arg5[%get3A_162] {strides = array<i32>} : memref<8192xi32, #tpu.memory_space<vmem>>, vector<16xi32>,
      %ge3A_164 = vector.broadcast %add3A_49 : i32 to vector<16xi32>
      %ge3A_165 = arith.cmpi sge, %get3A_163, %ge3A_164 : vector<16xi32>
      %add3A_166 = arith.constant 32 : i32
      %add3A_167 = arith.addi %add3A_49, %add3A_166 : i32
      %lt3A_168 = vector.broadcast %add3A_167 : i32 to vector<16xi32>
      %lt3A_169 = arith.cmpi slt, %get3A_163, %lt3A_168 : vector<16xi32>
      %and3A_170 = arith.andi %ge3A_165, %lt3A_169 : vector<16xi1>
      %sub3A_171 = vector.broadcast %add3A_49 : i32 to vector<16xi32>
      %sub3A_172 = arith.subi %get3A_163, %sub3A_171 : vector<16xi32>
      %mul3A_173 = arith.constant 2048 : i32
      %mul3A_174 = vector.broadcast %mul3A_173 : i32 to vector<16xi32>
      %mul3A_175 = arith.muli %sub3A_172, %mul3A_174 : vector<16xi32>
      %add3A_176 = arith.addi %mul3A_175, %get3A_161 : vector<16xi32>
      %jit3A_177 = arith.constant 0 : i32
      %broadcast_in_dim3A_178 = vector.broadcast %jit3A_177 : i32 to vector<16xi32>
      %select_n3A_179 = arith.select %and3A_170, %add3A_176, %broadcast_in_dim3A_178 : vector<16xi1>, vector<16xi32>
      tpu.vector_store_idx %arg6[%select_n3A_179], %broadcast_in_dim3A_3 masked %and3A_170 {add = true} : memref<65536xf32, #tpu.memory_space<vmem>>[vector<16xi32>], vector<16xf32>, vector<16xi1>
    }
    %scan3A_71 = arith.constant 128 : i32
    %run_scoped3A_72 = arith.constant 0 : i32
    "tpu.region"() ({
      %run_scoped3A_90 = tpu.sem_alloc : memref<!tpu.dma_semaphore, #tpu.memory_space<semaphore_mem>>
      %dma_start3A = arith.constant 16384 : i32
      %dma_start3A_91 = tpu.memref_slice %arg2[%run_scoped3A_72, %dma_start3A] : memref<2x32768xi32, #tpu.memory_space<hbm>> -> memref<1x8192xi32, #tpu.memory_space<hbm>>
      %dma_start3A_92 = tpu.memref_squeeze %dma_start3A_91 : memref<1x8192xi32, #tpu.memory_space<hbm>> -> memref<8192xi32, #tpu.memory_space<hbm>>
      %dma_start3A_93 = arith.constant 16384 : i32
      %dma_start3A_94 = tpu.memref_slice %arg2[%run_scoped3A_72, %dma_start3A_93] : memref<2x32768xi32, #tpu.memory_space<hbm>> -> memref<1x8192xi32, #tpu.memory_space<hbm>>
      %dma_start3A_95 = tpu.memref_squeeze %dma_start3A_94 : memref<1x8192xi32, #tpu.memory_space<hbm>> -> memref<8192xi32, #tpu.memory_space<hbm>>
      tpu.enqueue_dma source(%dma_start3A_95 : memref<8192xi32, #tpu.memory_space<hbm>>) target(%arg4 : memref<8192xi32, #tpu.memory_space<vmem>>) target_semaphore(%run_scoped3A_90 : memref<!tpu.dma_semaphore, #tpu.memory_space<semaphore_mem>>)
      %dma_wait3A = arith.constant 16384 : i32
      %dma_wait3A_96 = tpu.memref_slice %arg2[%run_scoped3A_72, %dma_wait3A] : memref<2x32768xi32, #tpu.memory_space<hbm>> -> memref<1x8192xi32, #tpu.memory_space<hbm>>
      %dma_wait3A_97 = tpu.memref_squeeze %dma_wait3A_96 : memref<1x8192xi32, #tpu.memory_space<hbm>> -> memref<8192xi32, #tpu.memory_space<hbm>>
      %dma_wait3A_98 = arith.constant 16384 : i32
      %dma_wait3A_99 = tpu.memref_slice %arg2[%run_scoped3A_72, %dma_wait3A_98] : memref<2x32768xi32, #tpu.memory_space<hbm>> -> memref<1x8192xi32, #tpu.memory_space<hbm>>
      %dma_wait3A_100 = tpu.memref_squeeze %dma_wait3A_99 : memref<1x8192xi32, #tpu.memory_space<hbm>> -> memref<8192xi32, #tpu.memory_space<hbm>>
      tpu.wait_dma2 semaphore(%run_scoped3A_90 : memref<!tpu.dma_semaphore, #tpu.memory_space<semaphore_mem>>) src(%dma_wait3A_100 : memref<8192xi32, #tpu.memory_space<hbm>>) dst(%arg4 : memref<8192xi32, #tpu.memory_space<vmem>>)
      tpu.yield
    }) : () -> ()
    %run_scoped3A_73 = arith.constant 1 : i32
    "tpu.region"() ({
      %run_scoped3A_90 = tpu.sem_alloc : memref<!tpu.dma_semaphore, #tpu.memory_space<semaphore_mem>>
      %dma_start3A = arith.constant 16384 : i32
      %dma_start3A_91 = tpu.memref_slice %arg2[%run_scoped3A_73, %dma_start3A] : memref<2x32768xi32, #tpu.memory_space<hbm>> -> memref<1x8192xi32, #tpu.memory_space<hbm>>
      %dma_start3A_92 = tpu.memref_squeeze %dma_start3A_91 : memref<1x8192xi32, #tpu.memory_space<hbm>> -> memref<8192xi32, #tpu.memory_space<hbm>>
      %dma_start3A_93 = arith.constant 16384 : i32
      %dma_start3A_94 = tpu.memref_slice %arg2[%run_scoped3A_73, %dma_start3A_93] : memref<2x32768xi32, #tpu.memory_space<hbm>> -> memref<1x8192xi32, #tpu.memory_space<hbm>>
      %dma_start3A_95 = tpu.memref_squeeze %dma_start3A_94 : memref<1x8192xi32, #tpu.memory_space<hbm>> -> memref<8192xi32, #tpu.memory_space<hbm>>
      tpu.enqueue_dma source(%dma_start3A_95 : memref<8192xi32, #tpu.memory_space<hbm>>) target(%arg5 : memref<8192xi32, #tpu.memory_space<vmem>>) target_semaphore(%run_scoped3A_90 : memref<!tpu.dma_semaphore, #tpu.memory_space<semaphore_mem>>)
      %dma_wait3A = arith.constant 16384 : i32
      %dma_wait3A_96 = tpu.memref_slice %arg2[%run_scoped3A_73, %dma_wait3A] : memref<2x32768xi32, #tpu.memory_space<hbm>> -> memref<1x8192xi32, #tpu.memory_space<hbm>>
      %dma_wait3A_97 = tpu.memref_squeeze %dma_wait3A_96 : memref<1x8192xi32, #tpu.memory_space<hbm>> -> memref<8192xi32, #tpu.memory_space<hbm>>
      %dma_wait3A_98 = arith.constant 16384 : i32
      %dma_wait3A_99 = tpu.memref_slice %arg2[%run_scoped3A_73, %dma_wait3A_98] : memref<2x32768xi32, #tpu.memory_space<hbm>> -> memref<1x8192xi32, #tpu.memory_space<hbm>>
      %dma_wait3A_100 = tpu.memref_squeeze %dma_wait3A_99 : memref<1x8192xi32, #tpu.memory_space<hbm>> -> memref<8192xi32, #tpu.memory_space<hbm>>
      tpu.wait_dma2 semaphore(%run_scoped3A_90 : memref<!tpu.dma_semaphore, #tpu.memory_space<semaphore_mem>>) src(%dma_wait3A_100 : memref<8192xi32, #tpu.memory_space<hbm>>) dst(%arg5 : memref<8192xi32, #tpu.memory_space<vmem>>)
      tpu.yield
    }) : () -> ()
    %scan3A_74 = arith.constant 0 : i32
    %scan3A_75 = arith.constant 0 : i32
    %scan3A_76 = arith.constant 128 : i32
    %scan3A_77 = arith.addi %scan3A_75, %scan3A_76 : i32
    %scan3A_78 = arith.constant 1 : i32
    scf.for %scan3A_90 = %scan3A_75 to %scan3A_77 step %scan3A_78  : i32 {
      %mul3A_91 = arith.constant 64 : i32
      %mul3A_92 = arith.muli %scan3A_90, %mul3A_91 : i32
      %add3A_93 = arith.constant 0 : i32
      %add3A_94 = arith.addi %mul3A_92, %add3A_93 : i32
      %get3A = arith.index_cast %add3A_94 : i32 to index
      %get3A_95 = tpu.vector_load %arg4[%get3A] {strides = array<i32>} : memref<8192xi32, #tpu.memory_space<vmem>>, vector<16xi32>,
      %get3A_96 = arith.index_cast %add3A_94 : i32 to index
      %get3A_97 = tpu.vector_load %arg5[%get3A_96] {strides = array<i32>} : memref<8192xi32, #tpu.memory_space<vmem>>, vector<16xi32>,
      %ge3A = vector.broadcast %add3A_49 : i32 to vector<16xi32>
      %ge3A_98 = arith.cmpi sge, %get3A_97, %ge3A : vector<16xi32>
      %add3A_99 = arith.constant 32 : i32
      %add3A_100 = arith.addi %add3A_49, %add3A_99 : i32
      %lt3A = vector.broadcast %add3A_100 : i32 to vector<16xi32>
      %lt3A_101 = arith.cmpi slt, %get3A_97, %lt3A : vector<16xi32>
      %and3A = arith.andi %ge3A_98, %lt3A_101 : vector<16xi1>
      %sub3A = vector.broadcast %add3A_49 : i32 to vector<16xi32>
      %sub3A_102 = arith.subi %get3A_97, %sub3A : vector<16xi32>
      %mul3A_103 = arith.constant 2048 : i32
      %mul3A_104 = vector.broadcast %mul3A_103 : i32 to vector<16xi32>
      %mul3A_105 = arith.muli %sub3A_102, %mul3A_104 : vector<16xi32>
      %add3A_106 = arith.addi %mul3A_105, %get3A_95 : vector<16xi32>
      %jit3A = arith.constant 0 : i32
      %broadcast_in_dim3A_107 = vector.broadcast %jit3A : i32 to vector<16xi32>
      %select_n3A = arith.select %and3A, %add3A_106, %broadcast_in_dim3A_107 : vector<16xi1>, vector<16xi32>
      tpu.vector_store_idx %arg6[%select_n3A], %broadcast_in_dim3A_3 masked %and3A {add = true} : memref<65536xf32, #tpu.memory_space<vmem>>[vector<16xi32>], vector<16xf32>, vector<16xi1>
      %mul3A_108 = arith.constant 64 : i32
      %mul3A_109 = arith.muli %scan3A_90, %mul3A_108 : i32
      %add3A_110 = arith.constant 16 : i32
      %add3A_111 = arith.addi %mul3A_109, %add3A_110 : i32
      %get3A_112 = arith.index_cast %add3A_111 : i32 to index
      %get3A_113 = tpu.vector_load %arg4[%get3A_112] {strides = array<i32>} : memref<8192xi32, #tpu.memory_space<vmem>>, vector<16xi32>,
      %get3A_114 = arith.index_cast %add3A_111 : i32 to index
      %get3A_115 = tpu.vector_load %arg5[%get3A_114] {strides = array<i32>} : memref<8192xi32, #tpu.memory_space<vmem>>, vector<16xi32>,
      %ge3A_116 = vector.broadcast %add3A_49 : i32 to vector<16xi32>
      %ge3A_117 = arith.cmpi sge, %get3A_115, %ge3A_116 : vector<16xi32>
      %add3A_118 = arith.constant 32 : i32
      %add3A_119 = arith.addi %add3A_49, %add3A_118 : i32
      %lt3A_120 = vector.broadcast %add3A_119 : i32 to vector<16xi32>
      %lt3A_121 = arith.cmpi slt, %get3A_115, %lt3A_120 : vector<16xi32>
      %and3A_122 = arith.andi %ge3A_117, %lt3A_121 : vector<16xi1>
      %sub3A_123 = vector.broadcast %add3A_49 : i32 to vector<16xi32>
      %sub3A_124 = arith.subi %get3A_115, %sub3A_123 : vector<16xi32>
      %mul3A_125 = arith.constant 2048 : i32
      %mul3A_126 = vector.broadcast %mul3A_125 : i32 to vector<16xi32>
      %mul3A_127 = arith.muli %sub3A_124, %mul3A_126 : vector<16xi32>
      %add3A_128 = arith.addi %mul3A_127, %get3A_113 : vector<16xi32>
      %jit3A_129 = arith.constant 0 : i32
      %broadcast_in_dim3A_130 = vector.broadcast %jit3A_129 : i32 to vector<16xi32>
      %select_n3A_131 = arith.select %and3A_122, %add3A_128, %broadcast_in_dim3A_130 : vector<16xi1>, vector<16xi32>
      tpu.vector_store_idx %arg6[%select_n3A_131], %broadcast_in_dim3A_3 masked %and3A_122 {add = true} : memref<65536xf32, #tpu.memory_space<vmem>>[vector<16xi32>], vector<16xf32>, vector<16xi1>
      %mul3A_132 = arith.constant 64 : i32
      %mul3A_133 = arith.muli %scan3A_90, %mul3A_132 : i32
      %add3A_134 = arith.constant 32 : i32
      %add3A_135 = arith.addi %mul3A_133, %add3A_134 : i32
      %get3A_136 = arith.index_cast %add3A_135 : i32 to index
      %get3A_137 = tpu.vector_load %arg4[%get3A_136] {strides = array<i32>} : memref<8192xi32, #tpu.memory_space<vmem>>, vector<16xi32>,
      %get3A_138 = arith.index_cast %add3A_135 : i32 to index
      %get3A_139 = tpu.vector_load %arg5[%get3A_138] {strides = array<i32>} : memref<8192xi32, #tpu.memory_space<vmem>>, vector<16xi32>,
      %ge3A_140 = vector.broadcast %add3A_49 : i32 to vector<16xi32>
      %ge3A_141 = arith.cmpi sge, %get3A_139, %ge3A_140 : vector<16xi32>
      %add3A_142 = arith.constant 32 : i32
      %add3A_143 = arith.addi %add3A_49, %add3A_142 : i32
      %lt3A_144 = vector.broadcast %add3A_143 : i32 to vector<16xi32>
      %lt3A_145 = arith.cmpi slt, %get3A_139, %lt3A_144 : vector<16xi32>
      %and3A_146 = arith.andi %ge3A_141, %lt3A_145 : vector<16xi1>
      %sub3A_147 = vector.broadcast %add3A_49 : i32 to vector<16xi32>
      %sub3A_148 = arith.subi %get3A_139, %sub3A_147 : vector<16xi32>
      %mul3A_149 = arith.constant 2048 : i32
      %mul3A_150 = vector.broadcast %mul3A_149 : i32 to vector<16xi32>
      %mul3A_151 = arith.muli %sub3A_148, %mul3A_150 : vector<16xi32>
      %add3A_152 = arith.addi %mul3A_151, %get3A_137 : vector<16xi32>
      %jit3A_153 = arith.constant 0 : i32
      %broadcast_in_dim3A_154 = vector.broadcast %jit3A_153 : i32 to vector<16xi32>
      %select_n3A_155 = arith.select %and3A_146, %add3A_152, %broadcast_in_dim3A_154 : vector<16xi1>, vector<16xi32>
      tpu.vector_store_idx %arg6[%select_n3A_155], %broadcast_in_dim3A_3 masked %and3A_146 {add = true} : memref<65536xf32, #tpu.memory_space<vmem>>[vector<16xi32>], vector<16xf32>, vector<16xi1>
      %mul3A_156 = arith.constant 64 : i32
      %mul3A_157 = arith.muli %scan3A_90, %mul3A_156 : i32
      %add3A_158 = arith.constant 48 : i32
      %add3A_159 = arith.addi %mul3A_157, %add3A_158 : i32
      %get3A_160 = arith.index_cast %add3A_159 : i32 to index
      %get3A_161 = tpu.vector_load %arg4[%get3A_160] {strides = array<i32>} : memref<8192xi32, #tpu.memory_space<vmem>>, vector<16xi32>,
      %get3A_162 = arith.index_cast %add3A_159 : i32 to index
      %get3A_163 = tpu.vector_load %arg5[%get3A_162] {strides = array<i32>} : memref<8192xi32, #tpu.memory_space<vmem>>, vector<16xi32>,
      %ge3A_164 = vector.broadcast %add3A_49 : i32 to vector<16xi32>
      %ge3A_165 = arith.cmpi sge, %get3A_163, %ge3A_164 : vector<16xi32>
      %add3A_166 = arith.constant 32 : i32
      %add3A_167 = arith.addi %add3A_49, %add3A_166 : i32
      %lt3A_168 = vector.broadcast %add3A_167 : i32 to vector<16xi32>
      %lt3A_169 = arith.cmpi slt, %get3A_163, %lt3A_168 : vector<16xi32>
      %and3A_170 = arith.andi %ge3A_165, %lt3A_169 : vector<16xi1>
      %sub3A_171 = vector.broadcast %add3A_49 : i32 to vector<16xi32>
      %sub3A_172 = arith.subi %get3A_163, %sub3A_171 : vector<16xi32>
      %mul3A_173 = arith.constant 2048 : i32
      %mul3A_174 = vector.broadcast %mul3A_173 : i32 to vector<16xi32>
      %mul3A_175 = arith.muli %sub3A_172, %mul3A_174 : vector<16xi32>
      %add3A_176 = arith.addi %mul3A_175, %get3A_161 : vector<16xi32>
      %jit3A_177 = arith.constant 0 : i32
      %broadcast_in_dim3A_178 = vector.broadcast %jit3A_177 : i32 to vector<16xi32>
      %select_n3A_179 = arith.select %and3A_170, %add3A_176, %broadcast_in_dim3A_178 : vector<16xi1>, vector<16xi32>
      tpu.vector_store_idx %arg6[%select_n3A_179], %broadcast_in_dim3A_3 masked %and3A_170 {add = true} : memref<65536xf32, #tpu.memory_space<vmem>>[vector<16xi32>], vector<16xf32>, vector<16xi1>
    }
    %scan3A_79 = arith.constant 128 : i32
    %run_scoped3A_80 = arith.constant 0 : i32
    "tpu.region"() ({
      %run_scoped3A_90 = tpu.sem_alloc : memref<!tpu.dma_semaphore, #tpu.memory_space<semaphore_mem>>
      %dma_start3A = arith.constant 24576 : i32
      %dma_start3A_91 = tpu.memref_slice %arg2[%run_scoped3A_80, %dma_start3A] : memref<2x32768xi32, #tpu.memory_space<hbm>> -> memref<1x8192xi32, #tpu.memory_space<hbm>>
      %dma_start3A_92 = tpu.memref_squeeze %dma_start3A_91 : memref<1x8192xi32, #tpu.memory_space<hbm>> -> memref<8192xi32, #tpu.memory_space<hbm>>
      %dma_start3A_93 = arith.constant 24576 : i32
      %dma_start3A_94 = tpu.memref_slice %arg2[%run_scoped3A_80, %dma_start3A_93] : memref<2x32768xi32, #tpu.memory_space<hbm>> -> memref<1x8192xi32, #tpu.memory_space<hbm>>
      %dma_start3A_95 = tpu.memref_squeeze %dma_start3A_94 : memref<1x8192xi32, #tpu.memory_space<hbm>> -> memref<8192xi32, #tpu.memory_space<hbm>>
      tpu.enqueue_dma source(%dma_start3A_95 : memref<8192xi32, #tpu.memory_space<hbm>>) target(%arg4 : memref<8192xi32, #tpu.memory_space<vmem>>) target_semaphore(%run_scoped3A_90 : memref<!tpu.dma_semaphore, #tpu.memory_space<semaphore_mem>>)
      %dma_wait3A = arith.constant 24576 : i32
      %dma_wait3A_96 = tpu.memref_slice %arg2[%run_scoped3A_80, %dma_wait3A] : memref<2x32768xi32, #tpu.memory_space<hbm>> -> memref<1x8192xi32, #tpu.memory_space<hbm>>
      %dma_wait3A_97 = tpu.memref_squeeze %dma_wait3A_96 : memref<1x8192xi32, #tpu.memory_space<hbm>> -> memref<8192xi32, #tpu.memory_space<hbm>>
      %dma_wait3A_98 = arith.constant 24576 : i32
      %dma_wait3A_99 = tpu.memref_slice %arg2[%run_scoped3A_80, %dma_wait3A_98] : memref<2x32768xi32, #tpu.memory_space<hbm>> -> memref<1x8192xi32, #tpu.memory_space<hbm>>
      %dma_wait3A_100 = tpu.memref_squeeze %dma_wait3A_99 : memref<1x8192xi32, #tpu.memory_space<hbm>> -> memref<8192xi32, #tpu.memory_space<hbm>>
      tpu.wait_dma2 semaphore(%run_scoped3A_90 : memref<!tpu.dma_semaphore, #tpu.memory_space<semaphore_mem>>) src(%dma_wait3A_100 : memref<8192xi32, #tpu.memory_space<hbm>>) dst(%arg4 : memref<8192xi32, #tpu.memory_space<vmem>>)
      tpu.yield
    }) : () -> ()
    %run_scoped3A_81 = arith.constant 1 : i32
    "tpu.region"() ({
      %run_scoped3A_90 = tpu.sem_alloc : memref<!tpu.dma_semaphore, #tpu.memory_space<semaphore_mem>>
      %dma_start3A = arith.constant 24576 : i32
      %dma_start3A_91 = tpu.memref_slice %arg2[%run_scoped3A_81, %dma_start3A] : memref<2x32768xi32, #tpu.memory_space<hbm>> -> memref<1x8192xi32, #tpu.memory_space<hbm>>
      %dma_start3A_92 = tpu.memref_squeeze %dma_start3A_91 : memref<1x8192xi32, #tpu.memory_space<hbm>> -> memref<8192xi32, #tpu.memory_space<hbm>>
      %dma_start3A_93 = arith.constant 24576 : i32
      %dma_start3A_94 = tpu.memref_slice %arg2[%run_scoped3A_81, %dma_start3A_93] : memref<2x32768xi32, #tpu.memory_space<hbm>> -> memref<1x8192xi32, #tpu.memory_space<hbm>>
      %dma_start3A_95 = tpu.memref_squeeze %dma_start3A_94 : memref<1x8192xi32, #tpu.memory_space<hbm>> -> memref<8192xi32, #tpu.memory_space<hbm>>
      tpu.enqueue_dma source(%dma_start3A_95 : memref<8192xi32, #tpu.memory_space<hbm>>) target(%arg5 : memref<8192xi32, #tpu.memory_space<vmem>>) target_semaphore(%run_scoped3A_90 : memref<!tpu.dma_semaphore, #tpu.memory_space<semaphore_mem>>)
      %dma_wait3A = arith.constant 24576 : i32
      %dma_wait3A_96 = tpu.memref_slice %arg2[%run_scoped3A_81, %dma_wait3A] : memref<2x32768xi32, #tpu.memory_space<hbm>> -> memref<1x8192xi32, #tpu.memory_space<hbm>>
      %dma_wait3A_97 = tpu.memref_squeeze %dma_wait3A_96 : memref<1x8192xi32, #tpu.memory_space<hbm>> -> memref<8192xi32, #tpu.memory_space<hbm>>
      %dma_wait3A_98 = arith.constant 24576 : i32
      %dma_wait3A_99 = tpu.memref_slice %arg2[%run_scoped3A_81, %dma_wait3A_98] : memref<2x32768xi32, #tpu.memory_space<hbm>> -> memref<1x8192xi32, #tpu.memory_space<hbm>>
      %dma_wait3A_100 = tpu.memref_squeeze %dma_wait3A_99 : memref<1x8192xi32, #tpu.memory_space<hbm>> -> memref<8192xi32, #tpu.memory_space<hbm>>
      tpu.wait_dma2 semaphore(%run_scoped3A_90 : memref<!tpu.dma_semaphore, #tpu.memory_space<semaphore_mem>>) src(%dma_wait3A_100 : memref<8192xi32, #tpu.memory_space<hbm>>) dst(%arg5 : memref<8192xi32, #tpu.memory_space<vmem>>)
      tpu.yield
    }) : () -> ()
    %scan3A_82 = arith.constant 0 : i32
    %scan3A_83 = arith.constant 0 : i32
    %scan3A_84 = arith.constant 128 : i32
    %scan3A_85 = arith.addi %scan3A_83, %scan3A_84 : i32
    %scan3A_86 = arith.constant 1 : i32
    scf.for %scan3A_90 = %scan3A_83 to %scan3A_85 step %scan3A_86  : i32 {
      %mul3A_91 = arith.constant 64 : i32
      %mul3A_92 = arith.muli %scan3A_90, %mul3A_91 : i32
      %add3A_93 = arith.constant 0 : i32
      %add3A_94 = arith.addi %mul3A_92, %add3A_93 : i32
      %get3A = arith.index_cast %add3A_94 : i32 to index
      %get3A_95 = tpu.vector_load %arg4[%get3A] {strides = array<i32>} : memref<8192xi32, #tpu.memory_space<vmem>>, vector<16xi32>,
      %get3A_96 = arith.index_cast %add3A_94 : i32 to index
      %get3A_97 = tpu.vector_load %arg5[%get3A_96] {strides = array<i32>} : memref<8192xi32, #tpu.memory_space<vmem>>, vector<16xi32>,
      %ge3A = vector.broadcast %add3A_49 : i32 to vector<16xi32>
      %ge3A_98 = arith.cmpi sge, %get3A_97, %ge3A : vector<16xi32>
      %add3A_99 = arith.constant 32 : i32
      %add3A_100 = arith.addi %add3A_49, %add3A_99 : i32
      %lt3A = vector.broadcast %add3A_100 : i32 to vector<16xi32>
      %lt3A_101 = arith.cmpi slt, %get3A_97, %lt3A : vector<16xi32>
      %and3A = arith.andi %ge3A_98, %lt3A_101 : vector<16xi1>
      %sub3A = vector.broadcast %add3A_49 : i32 to vector<16xi32>
      %sub3A_102 = arith.subi %get3A_97, %sub3A : vector<16xi32>
      %mul3A_103 = arith.constant 2048 : i32
      %mul3A_104 = vector.broadcast %mul3A_103 : i32 to vector<16xi32>
      %mul3A_105 = arith.muli %sub3A_102, %mul3A_104 : vector<16xi32>
      %add3A_106 = arith.addi %mul3A_105, %get3A_95 : vector<16xi32>
      %jit3A = arith.constant 0 : i32
      %broadcast_in_dim3A_107 = vector.broadcast %jit3A : i32 to vector<16xi32>
      %select_n3A = arith.select %and3A, %add3A_106, %broadcast_in_dim3A_107 : vector<16xi1>, vector<16xi32>
      tpu.vector_store_idx %arg6[%select_n3A], %broadcast_in_dim3A_3 masked %and3A {add = true} : memref<65536xf32, #tpu.memory_space<vmem>>[vector<16xi32>], vector<16xf32>, vector<16xi1>
      %mul3A_108 = arith.constant 64 : i32
      %mul3A_109 = arith.muli %scan3A_90, %mul3A_108 : i32
      %add3A_110 = arith.constant 16 : i32
      %add3A_111 = arith.addi %mul3A_109, %add3A_110 : i32
      %get3A_112 = arith.index_cast %add3A_111 : i32 to index
      %get3A_113 = tpu.vector_load %arg4[%get3A_112] {strides = array<i32>} : memref<8192xi32, #tpu.memory_space<vmem>>, vector<16xi32>,
      %get3A_114 = arith.index_cast %add3A_111 : i32 to index
      %get3A_115 = tpu.vector_load %arg5[%get3A_114] {strides = array<i32>} : memref<8192xi32, #tpu.memory_space<vmem>>, vector<16xi32>,
      %ge3A_116 = vector.broadcast %add3A_49 : i32 to vector<16xi32>
      %ge3A_117 = arith.cmpi sge, %get3A_115, %ge3A_116 : vector<16xi32>
      %add3A_118 = arith.constant 32 : i32
      %add3A_119 = arith.addi %add3A_49, %add3A_118 : i32
      %lt3A_120 = vector.broadcast %add3A_119 : i32 to vector<16xi32>
      %lt3A_121 = arith.cmpi slt, %get3A_115, %lt3A_120 : vector<16xi32>
      %and3A_122 = arith.andi %ge3A_117, %lt3A_121 : vector<16xi1>
      %sub3A_123 = vector.broadcast %add3A_49 : i32 to vector<16xi32>
      %sub3A_124 = arith.subi %get3A_115, %sub3A_123 : vector<16xi32>
      %mul3A_125 = arith.constant 2048 : i32
      %mul3A_126 = vector.broadcast %mul3A_125 : i32 to vector<16xi32>
      %mul3A_127 = arith.muli %sub3A_124, %mul3A_126 : vector<16xi32>
      %add3A_128 = arith.addi %mul3A_127, %get3A_113 : vector<16xi32>
      %jit3A_129 = arith.constant 0 : i32
      %broadcast_in_dim3A_130 = vector.broadcast %jit3A_129 : i32 to vector<16xi32>
      %select_n3A_131 = arith.select %and3A_122, %add3A_128, %broadcast_in_dim3A_130 : vector<16xi1>, vector<16xi32>
      tpu.vector_store_idx %arg6[%select_n3A_131], %broadcast_in_dim3A_3 masked %and3A_122 {add = true} : memref<65536xf32, #tpu.memory_space<vmem>>[vector<16xi32>], vector<16xf32>, vector<16xi1>
      %mul3A_132 = arith.constant 64 : i32
      %mul3A_133 = arith.muli %scan3A_90, %mul3A_132 : i32
      %add3A_134 = arith.constant 32 : i32
      %add3A_135 = arith.addi %mul3A_133, %add3A_134 : i32
      %get3A_136 = arith.index_cast %add3A_135 : i32 to index
      %get3A_137 = tpu.vector_load %arg4[%get3A_136] {strides = array<i32>} : memref<8192xi32, #tpu.memory_space<vmem>>, vector<16xi32>,
      %get3A_138 = arith.index_cast %add3A_135 : i32 to index
      %get3A_139 = tpu.vector_load %arg5[%get3A_138] {strides = array<i32>} : memref<8192xi32, #tpu.memory_space<vmem>>, vector<16xi32>,
      %ge3A_140 = vector.broadcast %add3A_49 : i32 to vector<16xi32>
      %ge3A_141 = arith.cmpi sge, %get3A_139, %ge3A_140 : vector<16xi32>
      %add3A_142 = arith.constant 32 : i32
      %add3A_143 = arith.addi %add3A_49, %add3A_142 : i32
      %lt3A_144 = vector.broadcast %add3A_143 : i32 to vector<16xi32>
      %lt3A_145 = arith.cmpi slt, %get3A_139, %lt3A_144 : vector<16xi32>
      %and3A_146 = arith.andi %ge3A_141, %lt3A_145 : vector<16xi1>
      %sub3A_147 = vector.broadcast %add3A_49 : i32 to vector<16xi32>
      %sub3A_148 = arith.subi %get3A_139, %sub3A_147 : vector<16xi32>
      %mul3A_149 = arith.constant 2048 : i32
      %mul3A_150 = vector.broadcast %mul3A_149 : i32 to vector<16xi32>
      %mul3A_151 = arith.muli %sub3A_148, %mul3A_150 : vector<16xi32>
      %add3A_152 = arith.addi %mul3A_151, %get3A_137 : vector<16xi32>
      %jit3A_153 = arith.constant 0 : i32
      %broadcast_in_dim3A_154 = vector.broadcast %jit3A_153 : i32 to vector<16xi32>
      %select_n3A_155 = arith.select %and3A_146, %add3A_152, %broadcast_in_dim3A_154 : vector<16xi1>, vector<16xi32>
      tpu.vector_store_idx %arg6[%select_n3A_155], %broadcast_in_dim3A_3 masked %and3A_146 {add = true} : memref<65536xf32, #tpu.memory_space<vmem>>[vector<16xi32>], vector<16xf32>, vector<16xi1>
      %mul3A_156 = arith.constant 64 : i32
      %mul3A_157 = arith.muli %scan3A_90, %mul3A_156 : i32
      %add3A_158 = arith.constant 48 : i32
      %add3A_159 = arith.addi %mul3A_157, %add3A_158 : i32
      %get3A_160 = arith.index_cast %add3A_159 : i32 to index
      %get3A_161 = tpu.vector_load %arg4[%get3A_160] {strides = array<i32>} : memref<8192xi32, #tpu.memory_space<vmem>>, vector<16xi32>,
      %get3A_162 = arith.index_cast %add3A_159 : i32 to index
      %get3A_163 = tpu.vector_load %arg5[%get3A_162] {strides = array<i32>} : memref<8192xi32, #tpu.memory_space<vmem>>, vector<16xi32>,
      %ge3A_164 = vector.broadcast %add3A_49 : i32 to vector<16xi32>
      %ge3A_165 = arith.cmpi sge, %get3A_163, %ge3A_164 : vector<16xi32>
      %add3A_166 = arith.constant 32 : i32
      %add3A_167 = arith.addi %add3A_49, %add3A_166 : i32
      %lt3A_168 = vector.broadcast %add3A_167 : i32 to vector<16xi32>
      %lt3A_169 = arith.cmpi slt, %get3A_163, %lt3A_168 : vector<16xi32>
      %and3A_170 = arith.andi %ge3A_165, %lt3A_169 : vector<16xi1>
      %sub3A_171 = vector.broadcast %add3A_49 : i32 to vector<16xi32>
      %sub3A_172 = arith.subi %get3A_163, %sub3A_171 : vector<16xi32>
      %mul3A_173 = arith.constant 2048 : i32
      %mul3A_174 = vector.broadcast %mul3A_173 : i32 to vector<16xi32>
      %mul3A_175 = arith.muli %sub3A_172, %mul3A_174 : vector<16xi32>
      %add3A_176 = arith.addi %mul3A_175, %get3A_161 : vector<16xi32>
      %jit3A_177 = arith.constant 0 : i32
      %broadcast_in_dim3A_178 = vector.broadcast %jit3A_177 : i32 to vector<16xi32>
      %select_n3A_179 = arith.select %and3A_170, %add3A_176, %broadcast_in_dim3A_178 : vector<16xi1>, vector<16xi32>
      tpu.vector_store_idx %arg6[%select_n3A_179], %broadcast_in_dim3A_3 masked %and3A_170 {add = true} : memref<65536xf32, #tpu.memory_space<vmem>>[vector<16xi32>], vector<16xf32>, vector<16xi1>
    }
    %scan3A_87 = arith.constant 128 : i32
    %mul3A_88 = arith.constant 2048 : i32
    %mul3A_89 = arith.muli %add3A_49, %mul3A_88 : i32
    "tpu.region"() ({
      %run_scoped3A_90 = tpu.sem_alloc : memref<!tpu.dma_semaphore, #tpu.memory_space<semaphore_mem>>
      %dma_start3A = tpu.memref_slice %arg3[%mul3A_89] : memref<4194304xf32, #tpu.memory_space<hbm>> -> memref<65536xf32, #tpu.memory_space<hbm>>
      %dma_start3A_91 = tpu.memref_slice %arg3[%mul3A_89] : memref<4194304xf32, #tpu.memory_space<hbm>> -> memref<65536xf32, #tpu.memory_space<hbm>>
      tpu.enqueue_dma source(%arg6 : memref<65536xf32, #tpu.memory_space<vmem>>) target(%dma_start3A_91 : memref<65536xf32, #tpu.memory_space<hbm>>) target_semaphore(%run_scoped3A_90 : memref<!tpu.dma_semaphore, #tpu.memory_space<semaphore_mem>>)
      %dma_wait3A = tpu.memref_slice %arg3[%mul3A_89] : memref<4194304xf32, #tpu.memory_space<hbm>> -> memref<65536xf32, #tpu.memory_space<hbm>>
      %dma_wait3A_92 = tpu.memref_slice %arg3[%mul3A_89] : memref<4194304xf32, #tpu.memory_space<hbm>> -> memref<65536xf32, #tpu.memory_space<hbm>>
      tpu.wait_dma2 semaphore(%run_scoped3A_90 : memref<!tpu.dma_semaphore, #tpu.memory_space<semaphore_mem>>) src(%arg6 : memref<65536xf32, #tpu.memory_space<vmem>>) dst(%dma_wait3A_92 : memref<65536xf32, #tpu.memory_space<hbm>>)
      tpu.yield
    }) : () -> ()
    return
  }
}

module attributes {stable_mosaic.version = 14 : i64} {
  func.func @_fused_body(%arg0: memref<2048x2048xf32, #tpu.memory_space<vmem>>, %arg1: memref<2048x128xf32, #tpu.memory_space<vmem>>, %arg2: memref<3x128x128xf32, #tpu.memory_space<vmem>>, %arg3: memref<3x128xf32, #tpu.memory_space<vmem>>, %arg4: memref<128x128xf32, #tpu.memory_space<vmem>>, %arg5: memref<1x128xf32, #tpu.memory_space<vmem>>, %arg6: memref<128x3xf32, #tpu.memory_space<vmem>>, %arg7: memref<1x3xf32, #tpu.memory_space<vmem>>, %arg8: memref<1x2048xi32, #tpu.memory_space<vmem>>, %arg9: memref<2048x3xf32, #tpu.memory_space<vmem>>, %arg10: memref<2048x3xf32, #tpu.memory_space<vmem>>, %arg11: memref<16x128xf32, #tpu.memory_space<vmem>>, %arg12: memref<1x1xf32, #tpu.memory_space<vmem>>, %arg13: memref<1x1xf32, #tpu.memory_space<vmem>>, %arg14: memref<2048x128xf32, #tpu.memory_space<vmem>>, %arg15: memref<2048x128xf32, #tpu.memory_space<vmem>>, %arg16: memref<2048x2048xbf16, #tpu.memory_space<vmem>>) attributes {dimension_semantics = [], scalar_prefetch = 0 : i64, scratch_operands = 3 : i64, tpu.core_type = #tpu.core_type<tc>} {
    %get3A = arith.constant 0 : index
    %get3A_0 = arith.constant 0 : index
    %get3A_1 = vector.load %arg1[%get3A, %get3A_0] : memref<2048x128xf32, #tpu.memory_space<vmem>>, vector<2048x128xf32>
    %swap3A = arith.constant 0 : index
    %swap3A_2 = arith.constant 0 : index
    %swap3A_3 = vector.load %arg14[%swap3A, %swap3A_2] : memref<2048x128xf32, #tpu.memory_space<vmem>>, vector<2048x128xf32>
    tpu.vector_store %arg14[%swap3A, %swap3A_2], %get3A_1 {strides = array<i32>} : memref<2048x128xf32, #tpu.memory_space<vmem>>, vector<2048x128xf32>,
    %scan3A = arith.constant 0 : i32
    %scan3A_4 = arith.constant 8 : i32
    %scan3A_5 = arith.addi %scan3A, %scan3A_4 : i32
    %scan3A_6 = arith.constant 1 : i32
    scf.for %scan3A_154 = %scan3A to %scan3A_5 step %scan3A_6  : i32 {
      %mul3A_155 = arith.constant 256 : i32
      %mul3A_156 = arith.muli %scan3A_154, %mul3A_155 : i32
      %get3A_157 = arith.index_cast %mul3A_156 : i32 to index
      %get3A_158 = arith.constant 0 : index
      %get3A_159 = vector.load %arg0[%get3A_157, %get3A_158] : memref<2048x2048xf32, #tpu.memory_space<vmem>>, vector<256x2048xf32>
      %gt3A = arith.constant 0.000000e+00 : f32
      %gt3A_160 = vector.broadcast %gt3A : f32 to vector<256x2048xf32>
      %gt3A_161 = arith.cmpf ogt, %get3A_159, %gt3A_160 : vector<256x2048xf32>
      %convert_element_type3A_162 = arith.extui %gt3A_161 : vector<256x2048xi1> to vector<256x2048xi32>
      %convert_element_type3A_163 = arith.sitofp %convert_element_type3A_162 : vector<256x2048xi32> to vector<256x2048xf32>
      %convert_element_type3A_164 = arith.truncf %convert_element_type3A_163 : vector<256x2048xf32> to vector<256x2048xbf16>
      %swap3A_165 = arith.index_cast %mul3A_156 : i32 to index
      %swap3A_166 = arith.constant 0 : index
      %swap3A_167 = vector.load %arg16[%swap3A_165, %swap3A_166] : memref<2048x2048xbf16, #tpu.memory_space<vmem>>, vector<256x2048xbf16>
      tpu.vector_store %arg16[%swap3A_165, %swap3A_166], %convert_element_type3A_164 {strides = array<i32>} : memref<2048x2048xbf16, #tpu.memory_space<vmem>>, vector<256x2048xbf16>,
      %get3A_168 = arith.constant 0 : index
      %get3A_169 = arith.constant 0 : index
      %get3A_170 = vector.load %arg14[%get3A_168, %get3A_169] : memref<2048x128xf32, #tpu.memory_space<vmem>>, vector<2048x128xf32>
      %dot_general3A_171 = arith.constant dense<0.000000e+00> : vector<256x128xf32>
      %dot_general3A_172 = tpu.matmul %get3A_159, %get3A_170, %dot_general3A_171 {dimension_numbers = #tpu.dot_dimension_numbers<[1], [0], [0], [1], [0, 0, 1, 1], [], []>, precision = #tpu.contract_precision<fp32>, transpose_lhs_hint = false} : vector<256x2048xf32>, vector<2048x128xf32>, vector<256x128xf32> -> vector<256x128xf32>
      %reduce_sum3A_173 = arith.constant dense<0.000000e+00> : vector<256xf32>
      %reduce_sum3A_174 = vector.multi_reduction <add>, %get3A_159, %reduce_sum3A_173 [1] : vector<256x2048xf32> to vector<256xf32>
      %broadcast_in_dim3A_175 = vector.shape_cast %reduce_sum3A_174 : vector<256xf32> to vector<256x1xf32>
      %add3A_176 = arith.constant 1.000000e+00 : f32
      %add3A_177 = vector.broadcast %add3A_176 : f32 to vector<256x1xf32>
      %add3A_178 = arith.addf %broadcast_in_dim3A_175, %add3A_177 : vector<256x1xf32>
      %get3A_179 = arith.index_cast %mul3A_156 : i32 to index
      %get3A_180 = arith.constant 0 : index
      %get3A_181 = vector.load %arg14[%get3A_179, %get3A_180] : memref<2048x128xf32, #tpu.memory_space<vmem>>, vector<256x128xf32>
      %add3A_182 = arith.addf %get3A_181, %dot_general3A_172 : vector<256x128xf32>
      %div3A_183 = vector.broadcast %add3A_178 : vector<256x1xf32> to vector<256x128xf32>
      %div3A_184 = arith.divf %add3A_182, %div3A_183 : vector<256x128xf32>
      %swap3A_185 = arith.index_cast %mul3A_156 : i32 to index
      %swap3A_186 = arith.constant 0 : index
      %swap3A_187 = vector.load %arg15[%swap3A_185, %swap3A_186] : memref<2048x128xf32, #tpu.memory_space<vmem>>, vector<256x128xf32>
      tpu.vector_store %arg15[%swap3A_185, %swap3A_186], %div3A_184 {strides = array<i32>} : memref<2048x128xf32, #tpu.memory_space<vmem>>, vector<256x128xf32>,
    }
    %scan3A_7 = arith.constant 8 : i32
    %get3A_8 = arith.constant 0 : index
    %get3A_9 = arith.constant 0 : index
    %get3A_10 = vector.load %arg15[%get3A_8, %get3A_9] : memref<2048x128xf32, #tpu.memory_space<vmem>>, vector<2048x128xf32>
    %get3A_11 = arith.constant 0 : index
    %get3A_12 = arith.constant 0 : index
    %get3A_13 = arith.constant 0 : index
    %get3A_14 = vector.load %arg2[%get3A_11, %get3A_12, %get3A_13] : memref<3x128x128xf32, #tpu.memory_space<vmem>>, vector<1x128x128xf32>
    %get3A_15 = vector.shape_cast %get3A_14 : vector<1x128x128xf32> to vector<128x128xf32>
    %dot_general3A = arith.constant dense<0.000000e+00> : vector<2048x128xf32>
    %dot_general3A_16 = tpu.matmul %get3A_10, %get3A_15, %dot_general3A {dimension_numbers = #tpu.dot_dimension_numbers<[1], [0], [0], [1], [0, 0, 1, 1], [], []>, precision = #tpu.contract_precision<fp32>, transpose_lhs_hint = false} : vector<2048x128xf32>, vector<128x128xf32>, vector<2048x128xf32> -> vector<2048x128xf32>
    %get3A_17 = arith.constant 0 : index
    %get3A_18 = arith.constant 0 : index
    %get3A_19 = vector.load %arg3[%get3A_17, %get3A_18] : memref<3x128xf32, #tpu.memory_space<vmem>>, vector<1x128xf32>
    %add3A = vector.broadcast %get3A_19 : vector<1x128xf32> to vector<2048x128xf32>
    %add3A_20 = arith.addf %dot_general3A_16, %add3A : vector<2048x128xf32>
    %max3A = arith.constant 0.000000e+00 : f32
    %max3A_21 = vector.broadcast %max3A : f32 to vector<2048x128xf32>
    %max3A_22 = arith.maximumf %add3A_20, %max3A_21 : vector<2048x128xf32>
    %swap3A_23 = arith.constant 0 : index
    %swap3A_24 = arith.constant 0 : index
    %swap3A_25 = vector.load %arg14[%swap3A_23, %swap3A_24] : memref<2048x128xf32, #tpu.memory_space<vmem>>, vector<2048x128xf32>
    tpu.vector_store %arg14[%swap3A_23, %swap3A_24], %max3A_22 {strides = array<i32>} : memref<2048x128xf32, #tpu.memory_space<vmem>>, vector<2048x128xf32>,
    %scan3A_26 = arith.constant 0 : i32
    %scan3A_27 = arith.constant 8 : i32
    %scan3A_28 = arith.addi %scan3A_26, %scan3A_27 : i32
    %scan3A_29 = arith.constant 1 : i32
    scf.for %scan3A_154 = %scan3A_26 to %scan3A_28 step %scan3A_29  : i32 {
      %mul3A_155 = arith.constant 256 : i32
      %mul3A_156 = arith.muli %scan3A_154, %mul3A_155 : i32
      %get3A_157 = arith.index_cast %mul3A_156 : i32 to index
      %get3A_158 = arith.constant 0 : index
      %get3A_159 = vector.load %arg0[%get3A_157, %get3A_158] : memref<2048x2048xf32, #tpu.memory_space<vmem>>, vector<256x2048xf32>
      %get3A_160 = arith.constant 0 : index
      %get3A_161 = arith.constant 0 : index
      %get3A_162 = vector.load %arg14[%get3A_160, %get3A_161] : memref<2048x128xf32, #tpu.memory_space<vmem>>, vector<2048x128xf32>
      %dot_general3A_163 = arith.constant dense<0.000000e+00> : vector<256x128xf32>
      %dot_general3A_164 = tpu.matmul %get3A_159, %get3A_162, %dot_general3A_163 {dimension_numbers = #tpu.dot_dimension_numbers<[1], [0], [0], [1], [0, 0, 1, 1], [], []>, precision = #tpu.contract_precision<fp32>, transpose_lhs_hint = false} : vector<256x2048xf32>, vector<2048x128xf32>, vector<256x128xf32> -> vector<256x128xf32>
      %reduce_sum3A_165 = arith.constant dense<0.000000e+00> : vector<256xf32>
      %reduce_sum3A_166 = vector.multi_reduction <add>, %get3A_159, %reduce_sum3A_165 [1] : vector<256x2048xf32> to vector<256xf32>
      %broadcast_in_dim3A_167 = vector.shape_cast %reduce_sum3A_166 : vector<256xf32> to vector<256x1xf32>
      %add3A_168 = arith.constant 1.000000e+00 : f32
      %add3A_169 = vector.broadcast %add3A_168 : f32 to vector<256x1xf32>
      %add3A_170 = arith.addf %broadcast_in_dim3A_167, %add3A_169 : vector<256x1xf32>
      %get3A_171 = arith.index_cast %mul3A_156 : i32 to index
      %get3A_172 = arith.constant 0 : index
      %get3A_173 = vector.load %arg14[%get3A_171, %get3A_172] : memref<2048x128xf32, #tpu.memory_space<vmem>>, vector<256x128xf32>
      %add3A_174 = arith.addf %get3A_173, %dot_general3A_164 : vector<256x128xf32>
      %div3A_175 = vector.broadcast %add3A_170 : vector<256x1xf32> to vector<256x128xf32>
      %div3A_176 = arith.divf %add3A_174, %div3A_175 : vector<256x128xf32>
      %swap3A_177 = arith.index_cast %mul3A_156 : i32 to index
      %swap3A_178 = arith.constant 0 : index
      %swap3A_179 = vector.load %arg15[%swap3A_177, %swap3A_178] : memref<2048x128xf32, #tpu.memory_space<vmem>>, vector<256x128xf32>
      tpu.vector_store %arg15[%swap3A_177, %swap3A_178], %div3A_176 {strides = array<i32>} : memref<2048x128xf32, #tpu.memory_space<vmem>>, vector<256x128xf32>,
    }
    %scan3A_30 = arith.constant 8 : i32
    %get3A_31 = arith.constant 0 : index
    %get3A_32 = arith.constant 0 : index
    %get3A_33 = vector.load %arg15[%get3A_31, %get3A_32] : memref<2048x128xf32, #tpu.memory_space<vmem>>, vector<2048x128xf32>
    %get3A_34 = arith.constant 1 : index
    %get3A_35 = arith.constant 0 : index
    %get3A_36 = arith.constant 0 : index
    %get3A_37 = vector.load %arg2[%get3A_34, %get3A_35, %get3A_36] : memref<3x128x128xf32, #tpu.memory_space<vmem>>, vector<1x128x128xf32>
    %get3A_38 = vector.shape_cast %get3A_37 : vector<1x128x128xf32> to vector<128x128xf32>
    %dot_general3A_39 = arith.constant dense<0.000000e+00> : vector<2048x128xf32>
    %dot_general3A_40 = tpu.matmul %get3A_33, %get3A_38, %dot_general3A_39 {dimension_numbers = #tpu.dot_dimension_numbers<[1], [0], [0], [1], [0, 0, 1, 1], [], []>, precision = #tpu.contract_precision<fp32>, transpose_lhs_hint = false} : vector<2048x128xf32>, vector<128x128xf32>, vector<2048x128xf32> -> vector<2048x128xf32>
    %get3A_41 = arith.constant 1 : index
    %get3A_42 = arith.constant 0 : index
    %get3A_43 = vector.load %arg3[%get3A_41, %get3A_42] : memref<3x128xf32, #tpu.memory_space<vmem>>, vector<1x128xf32>
    %add3A_44 = vector.broadcast %get3A_43 : vector<1x128xf32> to vector<2048x128xf32>
    %add3A_45 = arith.addf %dot_general3A_40, %add3A_44 : vector<2048x128xf32>
    %max3A_46 = arith.constant 0.000000e+00 : f32
    %max3A_47 = vector.broadcast %max3A_46 : f32 to vector<2048x128xf32>
    %max3A_48 = arith.maximumf %add3A_45, %max3A_47 : vector<2048x128xf32>
    %swap3A_49 = arith.constant 0 : index
    %swap3A_50 = arith.constant 0 : index
    %swap3A_51 = vector.load %arg14[%swap3A_49, %swap3A_50] : memref<2048x128xf32, #tpu.memory_space<vmem>>, vector<2048x128xf32>
    tpu.vector_store %arg14[%swap3A_49, %swap3A_50], %max3A_48 {strides = array<i32>} : memref<2048x128xf32, #tpu.memory_space<vmem>>, vector<2048x128xf32>,
    %scan3A_52 = arith.constant 0 : i32
    %scan3A_53 = arith.constant 8 : i32
    %scan3A_54 = arith.addi %scan3A_52, %scan3A_53 : i32
    %scan3A_55 = arith.constant 1 : i32
    scf.for %scan3A_154 = %scan3A_52 to %scan3A_54 step %scan3A_55  : i32 {
      %mul3A_155 = arith.constant 256 : i32
      %mul3A_156 = arith.muli %scan3A_154, %mul3A_155 : i32
      %get3A_157 = arith.index_cast %mul3A_156 : i32 to index
      %get3A_158 = arith.constant 0 : index
      %get3A_159 = vector.load %arg0[%get3A_157, %get3A_158] : memref<2048x2048xf32, #tpu.memory_space<vmem>>, vector<256x2048xf32>
      %get3A_160 = arith.constant 0 : index
      %get3A_161 = arith.constant 0 : index
      %get3A_162 = vector.load %arg14[%get3A_160, %get3A_161] : memref<2048x128xf32, #tpu.memory_space<vmem>>, vector<2048x128xf32>
      %dot_general3A_163 = arith.constant dense<0.000000e+00> : vector<256x128xf32>
      %dot_general3A_164 = tpu.matmul %get3A_159, %get3A_162, %dot_general3A_163 {dimension_numbers = #tpu.dot_dimension_numbers<[1], [0], [0], [1], [0, 0, 1, 1], [], []>, precision = #tpu.contract_precision<fp32>, transpose_lhs_hint = false} : vector<256x2048xf32>, vector<2048x128xf32>, vector<256x128xf32> -> vector<256x128xf32>
      %reduce_sum3A_165 = arith.constant dense<0.000000e+00> : vector<256xf32>
      %reduce_sum3A_166 = vector.multi_reduction <add>, %get3A_159, %reduce_sum3A_165 [1] : vector<256x2048xf32> to vector<256xf32>
      %broadcast_in_dim3A_167 = vector.shape_cast %reduce_sum3A_166 : vector<256xf32> to vector<256x1xf32>
      %add3A_168 = arith.constant 1.000000e+00 : f32
      %add3A_169 = vector.broadcast %add3A_168 : f32 to vector<256x1xf32>
      %add3A_170 = arith.addf %broadcast_in_dim3A_167, %add3A_169 : vector<256x1xf32>
      %get3A_171 = arith.index_cast %mul3A_156 : i32 to index
      %get3A_172 = arith.constant 0 : index
      %get3A_173 = vector.load %arg14[%get3A_171, %get3A_172] : memref<2048x128xf32, #tpu.memory_space<vmem>>, vector<256x128xf32>
      %add3A_174 = arith.addf %get3A_173, %dot_general3A_164 : vector<256x128xf32>
      %div3A_175 = vector.broadcast %add3A_170 : vector<256x1xf32> to vector<256x128xf32>
      %div3A_176 = arith.divf %add3A_174, %div3A_175 : vector<256x128xf32>
      %swap3A_177 = arith.index_cast %mul3A_156 : i32 to index
      %swap3A_178 = arith.constant 0 : index
      %swap3A_179 = vector.load %arg15[%swap3A_177, %swap3A_178] : memref<2048x128xf32, #tpu.memory_space<vmem>>, vector<256x128xf32>
      tpu.vector_store %arg15[%swap3A_177, %swap3A_178], %div3A_176 {strides = array<i32>} : memref<2048x128xf32, #tpu.memory_space<vmem>>, vector<256x128xf32>,
    }
    %scan3A_56 = arith.constant 8 : i32
    %get3A_57 = arith.constant 0 : index
    %get3A_58 = arith.constant 0 : index
    %get3A_59 = vector.load %arg15[%get3A_57, %get3A_58] : memref<2048x128xf32, #tpu.memory_space<vmem>>, vector<2048x128xf32>
    %get3A_60 = arith.constant 2 : index
    %get3A_61 = arith.constant 0 : index
    %get3A_62 = arith.constant 0 : index
    %get3A_63 = vector.load %arg2[%get3A_60, %get3A_61, %get3A_62] : memref<3x128x128xf32, #tpu.memory_space<vmem>>, vector<1x128x128xf32>
    %get3A_64 = vector.shape_cast %get3A_63 : vector<1x128x128xf32> to vector<128x128xf32>
    %dot_general3A_65 = arith.constant dense<0.000000e+00> : vector<2048x128xf32>
    %dot_general3A_66 = tpu.matmul %get3A_59, %get3A_64, %dot_general3A_65 {dimension_numbers = #tpu.dot_dimension_numbers<[1], [0], [0], [1], [0, 0, 1, 1], [], []>, precision = #tpu.contract_precision<fp32>, transpose_lhs_hint = false} : vector<2048x128xf32>, vector<128x128xf32>, vector<2048x128xf32> -> vector<2048x128xf32>
    %get3A_67 = arith.constant 2 : index
    %get3A_68 = arith.constant 0 : index
    %get3A_69 = vector.load %arg3[%get3A_67, %get3A_68] : memref<3x128xf32, #tpu.memory_space<vmem>>, vector<1x128xf32>
    %add3A_70 = vector.broadcast %get3A_69 : vector<1x128xf32> to vector<2048x128xf32>
    %add3A_71 = arith.addf %dot_general3A_66, %add3A_70 : vector<2048x128xf32>
    %swap3A_72 = arith.constant 0 : index
    %swap3A_73 = arith.constant 0 : index
    %swap3A_74 = vector.load %arg14[%swap3A_72, %swap3A_73] : memref<2048x128xf32, #tpu.memory_space<vmem>>, vector<2048x128xf32>
    tpu.vector_store %arg14[%swap3A_72, %swap3A_73], %add3A_71 {strides = array<i32>} : memref<2048x128xf32, #tpu.memory_space<vmem>>, vector<2048x128xf32>,
    %get3A_75 = arith.constant 0 : index
    %get3A_76 = arith.constant 0 : index
    %get3A_77 = vector.load %arg14[%get3A_75, %get3A_76] : memref<2048x128xf32, #tpu.memory_space<vmem>>, vector<2048x128xf32>
    %get3A_78 = arith.constant 0 : index
    %get3A_79 = arith.constant 0 : index
    %get3A_80 = vector.load %arg8[%get3A_78, %get3A_79] : memref<1x2048xi32, #tpu.memory_space<vmem>>, vector<1x2048xi32>
    %broadcast_in_dim3A = vector.shape_cast %get3A_80 : vector<1x2048xi32> to vector<1x2048xi32>
    %broadcast_in_dim3A_81 = vector.broadcast %broadcast_in_dim3A : vector<1x2048xi32> to vector<16x2048xi32>
    %iota3A = tpu.iota {dimensions = array<i32: 0>} : vector<16x2048xi32>
    %eq3A = arith.cmpi eq, %broadcast_in_dim3A_81, %iota3A : vector<16x2048xi32>
    %convert_element_type3A = arith.extui %eq3A : vector<16x2048xi1> to vector<16x2048xi32>
    %convert_element_type3A_82 = arith.sitofp %convert_element_type3A : vector<16x2048xi32> to vector<16x2048xf32>
    %reduce_sum3A = arith.constant dense<0.000000e+00> : vector<16xf32>
    %reduce_sum3A_83 = vector.multi_reduction <add>, %convert_element_type3A_82, %reduce_sum3A [1] : vector<16x2048xf32> to vector<16xf32>
    %broadcast_in_dim3A_84 = vector.shape_cast %reduce_sum3A_83 : vector<16xf32> to vector<16x1xf32>
    %dot_general3A_85 = arith.constant dense<0.000000e+00> : vector<16x128xf32>
    %dot_general3A_86 = tpu.matmul %convert_element_type3A_82, %get3A_77, %dot_general3A_85 {dimension_numbers = #tpu.dot_dimension_numbers<[1], [0], [0], [1], [0, 0, 1, 1], [], []>, precision = #tpu.contract_precision<fp32>, transpose_lhs_hint = false} : vector<16x2048xf32>, vector<2048x128xf32>, vector<16x128xf32> -> vector<16x128xf32>
    %max3A_87 = arith.constant 1.000000e+00 : f32
    %max3A_88 = vector.broadcast %max3A_87 : f32 to vector<16x1xf32>
    %max3A_89 = arith.maximumf %broadcast_in_dim3A_84, %max3A_88 : vector<16x1xf32>
    %div3A = vector.broadcast %max3A_89 : vector<16x1xf32> to vector<16x128xf32>
    %div3A_90 = arith.divf %dot_general3A_86, %div3A : vector<16x128xf32>
    %swap3A_91 = arith.constant 0 : index
    %swap3A_92 = arith.constant 0 : index
    %swap3A_93 = vector.load %arg11[%swap3A_91, %swap3A_92] : memref<16x128xf32, #tpu.memory_space<vmem>>, vector<16x128xf32>
    tpu.vector_store %arg11[%swap3A_91, %swap3A_92], %div3A_90 {strides = array<i32>} : memref<16x128xf32, #tpu.memory_space<vmem>>, vector<16x128xf32>,
    %get3A_94 = arith.constant 0 : index
    %get3A_95 = arith.constant 0 : index
    %get3A_96 = vector.load %arg4[%get3A_94, %get3A_95] : memref<128x128xf32, #tpu.memory_space<vmem>>, vector<128x128xf32>
    %dot_general3A_97 = arith.constant dense<0.000000e+00> : vector<2048x128xf32>
    %dot_general3A_98 = tpu.matmul %get3A_77, %get3A_96, %dot_general3A_97 {dimension_numbers = #tpu.dot_dimension_numbers<[1], [0], [0], [1], [0, 0, 1, 1], [], []>, precision = #tpu.contract_precision<fp32>, transpose_lhs_hint = false} : vector<2048x128xf32>, vector<128x128xf32>, vector<2048x128xf32> -> vector<2048x128xf32>
    %get3A_99 = arith.constant 0 : index
    %get3A_100 = arith.constant 0 : index
    %get3A_101 = vector.load %arg5[%get3A_99, %get3A_100] : memref<1x128xf32, #tpu.memory_space<vmem>>, vector<1x128xf32>
    %add3A_102 = vector.broadcast %get3A_101 : vector<1x128xf32> to vector<2048x128xf32>
    %add3A_103 = arith.addf %dot_general3A_98, %add3A_102 : vector<2048x128xf32>
    %max3A_104 = arith.constant 0.000000e+00 : f32
    %max3A_105 = vector.broadcast %max3A_104 : f32 to vector<2048x128xf32>
    %max3A_106 = arith.maximumf %add3A_103, %max3A_105 : vector<2048x128xf32>
    %get3A_107 = arith.constant 0 : index
    %get3A_108 = arith.constant 0 : index
    %get3A_109 = vector.load %arg6[%get3A_107, %get3A_108] : memref<128x3xf32, #tpu.memory_space<vmem>>, vector<128x3xf32>
    %dot_general3A_110 = arith.constant dense<0.000000e+00> : vector<2048x3xf32>
    %dot_general3A_111 = tpu.matmul %max3A_106, %get3A_109, %dot_general3A_110 {dimension_numbers = #tpu.dot_dimension_numbers<[1], [0], [0], [1], [0, 0, 1, 1], [], []>, precision = #tpu.contract_precision<fp32>, transpose_lhs_hint = false} : vector<2048x128xf32>, vector<128x3xf32>, vector<2048x3xf32> -> vector<2048x3xf32>
    %get3A_112 = arith.constant 0 : index
    %get3A_113 = arith.constant 0 : index
    %get3A_114 = vector.load %arg7[%get3A_112, %get3A_113] : memref<1x3xf32, #tpu.memory_space<vmem>>, vector<1x3xf32>
    %add3A_115 = vector.broadcast %get3A_114 : vector<1x3xf32> to vector<2048x3xf32>
    %add3A_116 = arith.addf %dot_general3A_111, %add3A_115 : vector<2048x3xf32>
    %swap3A_117 = arith.constant 0 : index
    %swap3A_118 = arith.constant 0 : index
    %swap3A_119 = vector.load %arg10[%swap3A_117, %swap3A_118] : memref<2048x3xf32, #tpu.memory_space<vmem>>, vector<2048x3xf32>
    tpu.vector_store %arg10[%swap3A_117, %swap3A_118], %add3A_116 {strides = array<i32>} : memref<2048x3xf32, #tpu.memory_space<vmem>>, vector<2048x3xf32>,
    %get3A_120 = arith.constant 0 : index
    %get3A_121 = arith.constant 0 : index
    %get3A_122 = vector.load %arg9[%get3A_120, %get3A_121] : memref<2048x3xf32, #tpu.memory_space<vmem>>, vector<2048x3xf32>
    %sub3A = arith.subf %add3A_116, %get3A_122 : vector<2048x3xf32>
    %mul3A = arith.mulf %sub3A, %sub3A : vector<2048x3xf32>
    %reduce_sum3A_123 = vector.shape_cast %mul3A : vector<2048x3xf32> to vector<1x2048x3xf32>
    %reduce_sum3A_124 = arith.constant dense<0.000000e+00> : vector<1xf32>
    %reduce_sum3A_125 = vector.multi_reduction <add>, %reduce_sum3A_123, %reduce_sum3A_124 [1, 2] : vector<1x2048x3xf32> to vector<1xf32>
    %reduce_sum3A_126 = vector.shape_cast %reduce_sum3A_125 : vector<1xf32> to vector<1x1x1xf32>
    %reduce_sum3A_127 = vector.extract %reduce_sum3A_126[0, 0, 0] : f32 from vector<1x1x1xf32>
    %mul3A_128 = arith.constant 1.62760422E-4 : f32
    %mul3A_129 = arith.mulf %reduce_sum3A_127, %mul3A_128 : f32
    %reshape3A = vector.broadcast %mul3A_129 : f32 to vector<1x1xf32>
    %swap3A_130 = arith.constant 0 : index
    %swap3A_131 = arith.constant 0 : index
    %swap3A_132 = vector.load %arg12[%swap3A_130, %swap3A_131] : memref<1x1xf32, #tpu.memory_space<vmem>>, vector<1x1xf32>
    tpu.vector_store %arg12[%swap3A_130, %swap3A_131], %reshape3A {strides = array<i32>} : memref<1x1xf32, #tpu.memory_space<vmem>>, vector<1x1xf32>,
    %transpose3A = tpu.transpose %add3A_116, [1, 0] : vector<2048x3xf32> -> vector<3x2048xf32>
    %scan3A_133 = arith.constant 0 : i32
    %scan3A_134 = arith.constant 8 : i32
    %scan3A_135 = arith.addi %scan3A_133, %scan3A_134 : i32
    %scan3A_136 = arith.constant 1 : i32
    scf.for %scan3A_154 = %scan3A_133 to %scan3A_135 step %scan3A_136  : i32 {
      %mul3A_155 = arith.constant 256 : i32
      %mul3A_156 = arith.muli %scan3A_154, %mul3A_155 : i32
      %get3A_157 = arith.constant 0 : index
      %get3A_158 = arith.index_cast %mul3A_156 : i32 to index
      %get3A_159 = vector.load %arg16[%get3A_157, %get3A_158] : memref<2048x2048xbf16, #tpu.memory_space<vmem>>, vector<2048x256xbf16>
      %transpose3A_160 = tpu.transpose %get3A_159, [1, 0] : vector<2048x256xbf16> -> vector<256x2048xbf16>
      %get3A_161 = arith.index_cast %mul3A_156 : i32 to index
      %get3A_162 = arith.constant 0 : index
      %get3A_163 = vector.load %arg16[%get3A_161, %get3A_162] : memref<2048x2048xbf16, #tpu.memory_space<vmem>>, vector<256x2048xbf16>
      %max3A_164 = arith.maximumf %get3A_163, %transpose3A_160 : vector<256x2048xbf16>
      %swap3A_165 = arith.index_cast %mul3A_156 : i32 to index
      %swap3A_166 = arith.constant 0 : index
      %swap3A_167 = vector.load %arg16[%swap3A_165, %swap3A_166] : memref<2048x2048xbf16, #tpu.memory_space<vmem>>, vector<256x2048xbf16>
      tpu.vector_store %arg16[%swap3A_165, %swap3A_166], %max3A_164 {strides = array<i32>} : memref<2048x2048xbf16, #tpu.memory_space<vmem>>, vector<256x2048xbf16>,
    }
    %scan3A_137 = arith.constant 8 : i32
    %get3A_138 = arith.constant 0 : index
    %get3A_139 = arith.constant 0 : index
    %get3A_140 = vector.load %arg16[%get3A_138, %get3A_139] : memref<2048x2048xbf16, #tpu.memory_space<vmem>>, vector<2048x2048xbf16>
    %scan3A_141 = arith.constant 1.000000e+00 : bf16
    %scan3A_142 = arith.constant 0x7F80 : bf16
    %scan3A_143 = arith.constant 0.000000e+00 : f32
    %scan3A_144 = arith.constant 0 : i32
    %scan3A_145 = arith.constant 8 : i32
    %scan3A_146 = arith.addi %scan3A_144, %scan3A_145 : i32
    %scan3A_147 = arith.constant 1 : i32
    %scan3A_148 = scf.for %scan3A_154 = %scan3A_144 to %scan3A_146 step %scan3A_147 iter_args(%scan3A_155 = %scan3A_143) -> (f32)  : i32 {
      %mul3A_156 = arith.constant 256 : i32
      %mul3A_157 = arith.muli %scan3A_154, %mul3A_156 : i32
      %iota3A_158 = tpu.iota {dimensions = array<i32: 0>} : vector<256x2048xi32>
      %add3A_159 = vector.broadcast %mul3A_157 : i32 to vector<256x2048xi32>
      %add3A_160 = arith.addi %iota3A_158, %add3A_159 : vector<256x2048xi32>
      %iota3A_161 = tpu.iota {dimensions = array<i32: 1>} : vector<256x2048xi32>
      %eq3A_162 = arith.cmpi eq, %add3A_160, %iota3A_161 : vector<256x2048xi32>
      %get3A_163 = arith.index_cast %mul3A_157 : i32 to index
      %get3A_164 = arith.constant 0 : index
      %get3A_165 = vector.load %arg16[%get3A_163, %get3A_164] : memref<2048x2048xbf16, #tpu.memory_space<vmem>>, vector<256x2048xbf16>
      %broadcast_in_dim3A_166 = vector.broadcast %scan3A_141 : bf16 to vector<256x2048xbf16>
      %select_n3A = arith.select %eq3A_162, %broadcast_in_dim3A_166, %get3A_165 : vector<256x2048xi1>, vector<256x2048xbf16>
      %gt3A = arith.constant 0.000000e+00 : bf16
      %gt3A_167 = vector.broadcast %gt3A : bf16 to vector<256x2048xbf16>
      %gt3A_168 = arith.cmpf ogt, %get3A_165, %gt3A_167 : vector<256x2048xbf16>
      %broadcast_in_dim3A_169 = vector.broadcast %scan3A_141 : bf16 to vector<256x2048xbf16>
      %broadcast_in_dim3A_170 = vector.broadcast %scan3A_142 : bf16 to vector<256x2048xbf16>
      %select_n3A_171 = arith.select %gt3A_168, %broadcast_in_dim3A_169, %broadcast_in_dim3A_170 : vector<256x2048xi1>, vector<256x2048xbf16>
      %jit3A = arith.constant 0.000000e+00 : bf16
      %broadcast_in_dim3A_172 = vector.broadcast %jit3A : bf16 to vector<256x2048xbf16>
      %select_n3A_173 = arith.select %eq3A_162, %broadcast_in_dim3A_172, %select_n3A_171 : vector<256x2048xi1>, vector<256x2048xbf16>
      %dot_general3A_174 = arith.constant dense<0.000000e+00> : vector<256x2048xf32>
      %dot_general3A_175 = tpu.matmul %select_n3A, %get3A_140, %dot_general3A_174 {dimension_numbers = #tpu.dot_dimension_numbers<[1], [0], [0], [1], [0, 0, 1, 1], [], []>, transpose_lhs_hint = false} : vector<256x2048xbf16>, vector<2048x2048xbf16>, vector<256x2048xf32> -> vector<256x2048xf32>
      %gt3A_176 = arith.constant 0.000000e+00 : f32
      %gt3A_177 = vector.broadcast %gt3A_176 : f32 to vector<256x2048xf32>
      %gt3A_178 = arith.cmpf ogt, %dot_general3A_175, %gt3A_177 : vector<256x2048xf32>
      %broadcast_in_dim3A_179 = vector.broadcast %scan3A_141 : bf16 to vector<256x2048xbf16>
      %select_n3A_180 = arith.select %gt3A_178, %broadcast_in_dim3A_179, %select_n3A : vector<256x2048xi1>, vector<256x2048xbf16>
      %gt3A_181 = arith.constant 0.000000e+00 : bf16
      %gt3A_182 = vector.broadcast %gt3A_181 : bf16 to vector<256x2048xbf16>
      %gt3A_183 = arith.cmpf ogt, %select_n3A_180, %gt3A_182 : vector<256x2048xbf16>
      %eq3A_184 = vector.broadcast %scan3A_142 : bf16 to vector<256x2048xbf16>
      %eq3A_185 = arith.cmpf oeq, %select_n3A_173, %eq3A_184 : vector<256x2048xbf16>
      %and3A = arith.andi %gt3A_183, %eq3A_185 : vector<256x2048xi1>
      %jit3A_186 = arith.constant 2.000000e+00 : bf16
      %broadcast_in_dim3A_187 = vector.broadcast %jit3A_186 : bf16 to vector<256x2048xbf16>
      %select_n3A_188 = arith.select %and3A, %broadcast_in_dim3A_187, %select_n3A_173 : vector<256x2048xi1>, vector<256x2048xbf16>
      %dot_general3A_189 = arith.constant dense<0.000000e+00> : vector<256x2048xf32>
      %dot_general3A_190 = tpu.matmul %select_n3A_180, %get3A_140, %dot_general3A_189 {dimension_numbers = #tpu.dot_dimension_numbers<[1], [0], [0], [1], [0, 0, 1, 1], [], []>, transpose_lhs_hint = false} : vector<256x2048xbf16>, vector<2048x2048xbf16>, vector<256x2048xf32> -> vector<256x2048xf32>
      %gt3A_191 = arith.constant 0.000000e+00 : f32
      %gt3A_192 = vector.broadcast %gt3A_191 : f32 to vector<256x2048xf32>
      %gt3A_193 = arith.cmpf ogt, %dot_general3A_190, %gt3A_192 : vector<256x2048xf32>
      %broadcast_in_dim3A_194 = vector.broadcast %scan3A_141 : bf16 to vector<256x2048xbf16>
      %select_n3A_195 = arith.select %gt3A_193, %broadcast_in_dim3A_194, %select_n3A_180 : vector<256x2048xi1>, vector<256x2048xbf16>
      %gt3A_196 = arith.constant 0.000000e+00 : bf16
      %gt3A_197 = vector.broadcast %gt3A_196 : bf16 to vector<256x2048xbf16>
      %gt3A_198 = arith.cmpf ogt, %select_n3A_195, %gt3A_197 : vector<256x2048xbf16>
      %eq3A_199 = vector.broadcast %scan3A_142 : bf16 to vector<256x2048xbf16>
      %eq3A_200 = arith.cmpf oeq, %select_n3A_188, %eq3A_199 : vector<256x2048xbf16>
      %and3A_201 = arith.andi %gt3A_198, %eq3A_200 : vector<256x2048xi1>
      %jit3A_202 = arith.constant 3.000000e+00 : bf16
      %broadcast_in_dim3A_203 = vector.broadcast %jit3A_202 : bf16 to vector<256x2048xbf16>
      %select_n3A_204 = arith.select %and3A_201, %broadcast_in_dim3A_203, %select_n3A_188 : vector<256x2048xi1>, vector<256x2048xbf16>
      %dot_general3A_205 = arith.constant dense<0.000000e+00> : vector<256x2048xf32>
      %dot_general3A_206 = tpu.matmul %select_n3A_195, %get3A_140, %dot_general3A_205 {dimension_numbers = #tpu.dot_dimension_numbers<[1], [0], [0], [1], [0, 0, 1, 1], [], []>, transpose_lhs_hint = false} : vector<256x2048xbf16>, vector<2048x2048xbf16>, vector<256x2048xf32> -> vector<256x2048xf32>
      %gt3A_207 = arith.constant 0.000000e+00 : f32
      %gt3A_208 = vector.broadcast %gt3A_207 : f32 to vector<256x2048xf32>
      %gt3A_209 = arith.cmpf ogt, %dot_general3A_206, %gt3A_208 : vector<256x2048xf32>
      %broadcast_in_dim3A_210 = vector.broadcast %scan3A_141 : bf16 to vector<256x2048xbf16>
      %select_n3A_211 = arith.select %gt3A_209, %broadcast_in_dim3A_210, %select_n3A_195 : vector<256x2048xi1>, vector<256x2048xbf16>
      %gt3A_212 = arith.constant 0.000000e+00 : bf16
      %gt3A_213 = vector.broadcast %gt3A_212 : bf16 to vector<256x2048xbf16>
      %gt3A_214 = arith.cmpf ogt, %select_n3A_211, %gt3A_213 : vector<256x2048xbf16>
      %eq3A_215 = vector.broadcast %scan3A_142 : bf16 to vector<256x2048xbf16>
      %eq3A_216 = arith.cmpf oeq, %select_n3A_204, %eq3A_215 : vector<256x2048xbf16>
      %and3A_217 = arith.andi %gt3A_214, %eq3A_216 : vector<256x2048xi1>
      %jit3A_218 = arith.constant 4.000000e+00 : bf16
      %broadcast_in_dim3A_219 = vector.broadcast %jit3A_218 : bf16 to vector<256x2048xbf16>
      %select_n3A_220 = arith.select %and3A_217, %broadcast_in_dim3A_219, %select_n3A_204 : vector<256x2048xi1>, vector<256x2048xbf16>
      %dot_general3A_221 = arith.constant dense<0.000000e+00> : vector<256x2048xf32>
      %dot_general3A_222 = tpu.matmul %select_n3A_211, %get3A_140, %dot_general3A_221 {dimension_numbers = #tpu.dot_dimension_numbers<[1], [0], [0], [1], [0, 0, 1, 1], [], []>, transpose_lhs_hint = false} : vector<256x2048xbf16>, vector<2048x2048xbf16>, vector<256x2048xf32> -> vector<256x2048xf32>
      %gt3A_223 = arith.constant 0.000000e+00 : f32
      %gt3A_224 = vector.broadcast %gt3A_223 : f32 to vector<256x2048xf32>
      %gt3A_225 = arith.cmpf ogt, %dot_general3A_222, %gt3A_224 : vector<256x2048xf32>
      %broadcast_in_dim3A_226 = vector.broadcast %scan3A_141 : bf16 to vector<256x2048xbf16>
      %select_n3A_227 = arith.select %gt3A_225, %broadcast_in_dim3A_226, %select_n3A_211 : vector<256x2048xi1>, vector<256x2048xbf16>
      %gt3A_228 = arith.constant 0.000000e+00 : bf16
      %gt3A_229 = vector.broadcast %gt3A_228 : bf16 to vector<256x2048xbf16>
      %gt3A_230 = arith.cmpf ogt, %select_n3A_227, %gt3A_229 : vector<256x2048xbf16>
      %eq3A_231 = vector.broadcast %scan3A_142 : bf16 to vector<256x2048xbf16>
      %eq3A_232 = arith.cmpf oeq, %select_n3A_220, %eq3A_231 : vector<256x2048xbf16>
      %and3A_233 = arith.andi %gt3A_230, %eq3A_232 : vector<256x2048xi1>
      %jit3A_234 = arith.constant 5.000000e+00 : bf16
      %broadcast_in_dim3A_235 = vector.broadcast %jit3A_234 : bf16 to vector<256x2048xbf16>
      %select_n3A_236 = arith.select %and3A_233, %broadcast_in_dim3A_235, %select_n3A_220 : vector<256x2048xi1>, vector<256x2048xbf16>
      %dot_general3A_237 = arith.constant dense<0.000000e+00> : vector<256x2048xf32>
      %dot_general3A_238 = tpu.matmul %select_n3A_227, %get3A_140, %dot_general3A_237 {dimension_numbers = #tpu.dot_dimension_numbers<[1], [0], [0], [1], [0, 0, 1, 1], [], []>, transpose_lhs_hint = false} : vector<256x2048xbf16>, vector<2048x2048xbf16>, vector<256x2048xf32> -> vector<256x2048xf32>
      %gt3A_239 = arith.constant 0.000000e+00 : f32
      %gt3A_240 = vector.broadcast %gt3A_239 : f32 to vector<256x2048xf32>
      %gt3A_241 = arith.cmpf ogt, %dot_general3A_238, %gt3A_240 : vector<256x2048xf32>
      %broadcast_in_dim3A_242 = vector.broadcast %scan3A_141 : bf16 to vector<256x2048xbf16>
      %select_n3A_243 = arith.select %gt3A_241, %broadcast_in_dim3A_242, %select_n3A_227 : vector<256x2048xi1>, vector<256x2048xbf16>
      %gt3A_244 = arith.constant 0.000000e+00 : bf16
      %gt3A_245 = vector.broadcast %gt3A_244 : bf16 to vector<256x2048xbf16>
      %gt3A_246 = arith.cmpf ogt, %select_n3A_243, %gt3A_245 : vector<256x2048xbf16>
      %eq3A_247 = vector.broadcast %scan3A_142 : bf16 to vector<256x2048xbf16>
      %eq3A_248 = arith.cmpf oeq, %select_n3A_236, %eq3A_247 : vector<256x2048xbf16>
      %and3A_249 = arith.andi %gt3A_246, %eq3A_248 : vector<256x2048xi1>
      %jit3A_250 = arith.constant 6.000000e+00 : bf16
      %broadcast_in_dim3A_251 = vector.broadcast %jit3A_250 : bf16 to vector<256x2048xbf16>
      %select_n3A_252 = arith.select %and3A_249, %broadcast_in_dim3A_251, %select_n3A_236 : vector<256x2048xi1>, vector<256x2048xbf16>
      %convert_element_type3A_253 = arith.extf %select_n3A_252 : vector<256x2048xbf16> to vector<256x2048xf32>
      %mul3A_254 = arith.constant -5.000000e-01 : f32
      %mul3A_255 = vector.broadcast %mul3A_254 : f32 to vector<256x2048xf32>
      %mul3A_256 = arith.mulf %convert_element_type3A_253, %mul3A_255 : vector<256x2048xf32>
      %exp3A = math.exp %mul3A_256 : vector<256x2048xf32>
      %get3A_257 = arith.index_cast %mul3A_157 : i32 to index
      %get3A_258 = arith.constant 0 : index
      %get3A_259 = vector.load %arg10[%get3A_257, %get3A_258] : memref<2048x3xf32, #tpu.memory_space<vmem>>, vector<256x1xf32>
      %slice3A = vector.extract_strided_slice %transpose3A {offsets = [0, 0], sizes = [1, 2048], strides = [1, 1]} : vector<3x2048xf32> to vector<1x2048xf32>
      %sub3A_260 = vector.broadcast %get3A_259 : vector<256x1xf32> to vector<256x2048xf32>
      %sub3A_261 = vector.broadcast %slice3A : vector<1x2048xf32> to vector<256x2048xf32>
      %sub3A_262 = arith.subf %sub3A_260, %sub3A_261 : vector<256x2048xf32>
      %get3A_263 = arith.index_cast %mul3A_157 : i32 to index
      %get3A_264 = arith.constant 1 : index
      %get3A_265 = vector.load %arg10[%get3A_263, %get3A_264] : memref<2048x3xf32, #tpu.memory_space<vmem>>, vector<256x1xf32>
      %slice3A_266 = vector.extract_strided_slice %transpose3A {offsets = [1, 0], sizes = [1, 2048], strides = [1, 1]} : vector<3x2048xf32> to vector<1x2048xf32>
      %sub3A_267 = vector.broadcast %get3A_265 : vector<256x1xf32> to vector<256x2048xf32>
      %sub3A_268 = vector.broadcast %slice3A_266 : vector<1x2048xf32> to vector<256x2048xf32>
      %sub3A_269 = arith.subf %sub3A_267, %sub3A_268 : vector<256x2048xf32>
      %get3A_270 = arith.index_cast %mul3A_157 : i32 to index
      %get3A_271 = arith.constant 2 : index
      %get3A_272 = vector.load %arg10[%get3A_270, %get3A_271] : memref<2048x3xf32, #tpu.memory_space<vmem>>, vector<256x1xf32>
      %slice3A_273 = vector.extract_strided_slice %transpose3A {offsets = [2, 0], sizes = [1, 2048], strides = [1, 1]} : vector<3x2048xf32> to vector<1x2048xf32>
      %sub3A_274 = vector.broadcast %get3A_272 : vector<256x1xf32> to vector<256x2048xf32>
      %sub3A_275 = vector.broadcast %slice3A_273 : vector<1x2048xf32> to vector<256x2048xf32>
      %sub3A_276 = arith.subf %sub3A_274, %sub3A_275 : vector<256x2048xf32>
      %mul3A_277 = arith.mulf %sub3A_262, %sub3A_262 : vector<256x2048xf32>
      %mul3A_278 = arith.mulf %sub3A_269, %sub3A_269 : vector<256x2048xf32>
      %add3A_279 = arith.addf %mul3A_277, %mul3A_278 : vector<256x2048xf32>
      %mul3A_280 = arith.mulf %sub3A_276, %sub3A_276 : vector<256x2048xf32>
      %add3A_281 = arith.addf %add3A_279, %mul3A_280 : vector<256x2048xf32>
      %add3A_282 = arith.constant 9.99999996E-13 : f32
      %add3A_283 = vector.broadcast %add3A_282 : f32 to vector<256x2048xf32>
      %add3A_284 = arith.addf %add3A_281, %add3A_283 : vector<256x2048xf32>
      %sqrt3A = math.sqrt %add3A_284 : vector<256x2048xf32>
      %neg3A = arith.constant 0.000000e+00 : f32
      %neg3A_285 = vector.broadcast %neg3A : f32 to vector<256x2048xf32>
      %neg3A_286 = arith.subf %neg3A_285, %sqrt3A : vector<256x2048xf32>
      %exp3A_287 = math.exp %neg3A_286 : vector<256x2048xf32>
      %sub3A_288 = arith.subf %exp3A, %exp3A_287 : vector<256x2048xf32>
      %mul3A_289 = arith.mulf %sub3A_288, %sub3A_288 : vector<256x2048xf32>
      %reduce_sum3A_290 = vector.shape_cast %mul3A_289 : vector<256x2048xf32> to vector<1x256x2048xf32>
      %reduce_sum3A_291 = arith.constant dense<0.000000e+00> : vector<1xf32>
      %reduce_sum3A_292 = vector.multi_reduction <add>, %reduce_sum3A_290, %reduce_sum3A_291 [1, 2] : vector<1x256x2048xf32> to vector<1xf32>
      %reduce_sum3A_293 = vector.shape_cast %reduce_sum3A_292 : vector<1xf32> to vector<1x1x1xf32>
      %reduce_sum3A_294 = vector.extract %reduce_sum3A_293[0, 0, 0] : f32 from vector<1x1x1xf32>
      %add3A_295 = arith.addf %scan3A_155, %reduce_sum3A_294 : f32
      scf.yield %add3A_295 : f32
    }
    %scan3A_149 = arith.constant 8 : i32
    %reshape3A_150 = vector.broadcast %scan3A_148 : f32 to vector<1x1xf32>
    %swap3A_151 = arith.constant 0 : index
    %swap3A_152 = arith.constant 0 : index
    %swap3A_153 = vector.load %arg13[%swap3A_151, %swap3A_152] : memref<1x1xf32, #tpu.memory_space<vmem>>, vector<1x1xf32>
    tpu.vector_store %arg13[%swap3A_151, %swap3A_152], %reshape3A_150 {strides = array<i32>} : memref<1x1xf32, #tpu.memory_space<vmem>>, vector<1x1xf32>,
    return
  }
}

</mosaic_0001>

<sc_bundles>
// kernel: kernel.4.cloned.1.call-start
scs
__scs_entry_jumppad:
0x0: {  	(pc) =	sbr.rel $0x88, $3  }
0x1: {  	(tag) =	ssettag $0x0;
	lr =	simm.s32 $0x1  }
0x2: {  	[smem:$0x3F97] =	sst lr;
	_ =	strace $0xD0000000  }
0x3: {  	_ = 	snop  }
0x4: {  	_ = 	snop  }
0x5: {  	_ = 	snop  }
0x6: {  	_ = 	snop  }
0x7: {  	_ = 	snop  }
__scs_overlays_trampoline_lowered:
0x8: {  	[smem:$0x3FA6] =	sst s0  }
0x9: {  	[smem:$0x3FA7] =	sst s1  }
0xa: {  	[smem:$0x3FA8] =	sst s2  }
0xb: {  	[smem:$0x3FA9] =	sst s3  }
0xc: {  	[smem:$0x3FAA] =	sst s4  }
0xd: {  	[smem:$0x3FAB] =	sst s5  }
0xe: {  	[smem:$0x3FAC] =	sst s6  }
0xf: {  	[smem:$0x3FAD] =	sst s7  }
0x10: {  	[smem:$0x3FAE] =	sst s8  }
0x11: {  	[smem:$0x3FAF] =	sst s9;
	s0 =	simm.s32 @!p0 $0x0  }
0x12: {  	s1 =	sld [smem:$0x3F95];
	s0 =	simm.s32 @p0 $0x1  }
0x13: {  	[smem:$0x3FB0] =	sst s0;
	s0 =	simm.s32 @!p1 $0x0  }
0x14: {  	s2 =	sld [smem:$0x3F94];
	s0 =	simm.s32 @p1 $0x1  }
0x15: {  	[smem:$0x3FB1] =	sst s0;
	s0 =	simm.s32 @!p2 $0x0  }
0x16: {  	s3 =	sld [smem:$0x3FDB];
	s0 =	simm.s32 @p2 $0x1  }
0x17: {  	s4 =	simm.s32 $0x1BF5;
	[smem:$0x3FB3] =	sst s0  }
0x18: {  	s0 =	sld [smem:$0x3F96];
	_ =	swait.ge [sflag:s4], $0x0  }
0x19: {  	s7 =	sld [smem:$0x3F97]  }
0x1a: {  	s8 =	sadd.s32 $0xFFFFE003, lr  }
0x1b: {  	s9 =	sadd.s32 $0xFFFFFEF7, lr;
	s5 =	simm.s32 $0xFFFFFFFF;
	p2 =	slt.u32 s8, $0xFFFFF086  }
0x1c: {  	p1 =	slt.u32 s9, $0xF7A;
	s5 =	simm.s32 @!p2 $0x0  }
0x1d: {  	s5 =	simm.s32 @p1 $0x1;
	p0 =	seq.s32 s7, s2  }
0x1e: {  	s7 =	smul.u32 @!p0 $0xF7A, s2;
	p2 =	seq.s32 @!p0 s5, $0x0  }
0x1f: {  	s9 =	smul.u32 $0xF7A, s1;
	s8 =	simm.s32 @!p0 $0x1BF5;
	p2 =	por !p2, p0  }
0x20: {  	[sflag:s8] =	ssyncset.s32 @!p0 $0xFFFFF086;
	s6 =	sadd.s32 @!p0 s3, s7;
	s7 =	simm.s32 @!p0 $0x108  }
0x21: {  	s3 =	sadd.s32 s3, s9;
	s6 =	sadd.s32 @!p0 $0x88, s6;
	s7 =	simm.s32 @p2 $0x1082  }
0x22: {  	[simem:s7], [sflag:s8] =	dma.local @!p0 [hbm:s6], $0xF7A  }
0x23: {  	s9 =	sor.u32 $0xD0000000, s2;
	s6 =	simm.s32 $0x108;
	_ =	swait.ge @!p0 [sflag:s8], $0x0  }
0x24: {  	s3 =	sadd.s32 $0x88, s3;
	s6 =	simm.s32 @!p1 $0x1082;
	[sflag:s4] =	ssyncset.s32 $0xFFFFF086  }
0x25: {  	[simem:s6], [sflag:s4] =	dma.local [hbm:s3], $0xF7A  }
0x26: {  	[smem:$0x3F97] =	sst s1;
	(tag) =	ssettag s2;
	_ =	strace s9  }
0x27: {  	s1 =	sld [smem:$0x3FA7]  }
0x28: {  	s2 =	sld [smem:$0x3FA8]  }
0x29: {  	s4 =	sld [smem:$0x3FAA]  }
0x2a: {  	p0 =	seq.s32 s5, $0x0;
	s5 =	sld [smem:$0x3FAB]  }
0x2b: {  	s6 =	sld [smem:$0x3FAC]  }
0x2c: {  	s7 =	sld [smem:$0x3FAD]  }
0x2d: {  	s3 =	simm.s32 $0x108;
	s8 =	sld [smem:$0x3FAE]  }
0x2e: {  	s3 =	simm.s32 @!p0 $0x1082;
	s9 =	sld [smem:$0x3FAF]  }
0x2f: {  	lr =	sadd.s32 s0, s3;
	s0 =	sld [smem:$0x3FA6]  }
0x30: {  	s3 =	sld [smem:$0x3FA9]  }
0x31: {  	[smem:$0x3FB2] =	sst s10  }
0x32: {  	s10 =	sld [smem:$0x3FB0];
	_ =	sdelay $0x3  }
0x33: {  	p0 =	seq.s32 s10, $0x1;
	s10 =	sld [smem:$0x3FB2];
	_ =	sdelay $0x3  }
0x34: {  	[smem:$0x3FB2] =	sst s10  }
0x35: {  	s10 =	sld [smem:$0x3FB1];
	_ =	sdelay $0x3  }
0x36: {  	p1 =	seq.s32 s10, $0x1;
	s10 =	sld [smem:$0x3FB2];
	_ =	sdelay $0x3  }
0x37: {  	[smem:$0x3FB2] =	sst s10  }
0x38: {  	s10 =	sld [smem:$0x3FB3]  }
0x39: {  	_ = 	snop;
	(pc) =	sbr.ind lr, $3  }
0x3a: {  	_ = 	snop  }
0x3b: {  	_ = 	snop  }
0x3c: {  	p2 =	seq.s32 s10, $0x1;
	s10 =	sld [smem:$0x3FB2]  }
0x3d: {  	_ =	shalt  }
0x3e: {  	_ =	shalt  }
0x3f: {  	_ =	shalt  }
0x40: {  	_ =	shalt  }
0x41: {  	_ =	shalt  }
0x42: {  	_ =	shalt  }
0x43: {  	_ =	shalt  }
0x44: {  	_ =	shalt  }
0x45: {  	_ =	shalt  }
0x46: {  	_ =	shalt  }
0x47: {  	_ =	shalt  }
0x48: {  	_ =	shalt  }
0x49: {  	_ =	shalt  }
0x4a: {  	_ =	shalt  }
0x4b: {  	_ =	shalt  }
0x4c: {  	_ =	shalt  }
0x4d: {  	_ =	shalt  }
0x4e: {  	_ =	shalt  }
0x4f: {  	_ =	shalt  }
0x50: {  	_ =	shalt  }
0x51: {  	_ =	shalt  }
0x52: {  	_ =	shalt  }
0x53: {  	_ =	shalt  }
0x54: {  	_ =	shalt  }
0x55: {  	_ =	shalt  }
0x56: {  	_ =	shalt  }
0x57: {  	_ =	shalt  }
0x58: {  	_ =	shalt  }
0x59: {  	_ =	shalt  }
0x5a: {  	_ =	shalt  }
0x5b: {  	_ =	shalt  }
0x5c: {  	_ =	shalt  }
0x5d: {  	_ =	shalt  }
0x5e: {  	_ =	shalt  }
0x5f: {  	_ =	shalt  }
0x60: {  	_ =	shalt  }
0x61: {  	_ =	shalt  }
0x62: {  	_ =	shalt  }
0x63: {  	_ =	shalt  }
0x64: {  	_ =	shalt  }
0x65: {  	_ =	shalt  }
0x66: {  	_ =	shalt  }
0x67: {  	_ =	shalt  }
0x68: {  	_ =	shalt  }
0x69: {  	_ =	shalt  }
0x6a: {  	_ =	shalt  }
0x6b: {  	_ =	shalt  }
0x6c: {  	_ =	shalt  }
0x6d: {  	_ =	shalt  }
0x6e: {  	_ =	shalt  }
0x6f: {  	_ =	shalt  }
0x70: {  	_ =	shalt  }
0x71: {  	_ =	shalt  }
0x72: {  	_ =	shalt  }
0x73: {  	_ =	shalt  }
0x74: {  	_ =	shalt  }
0x75: {  	_ =	shalt  }
0x76: {  	_ =	shalt  }
0x77: {  	_ =	shalt  }
0x78: {  	_ =	shalt  }
0x79: {  	_ =	shalt  }
0x7a: {  	_ =	shalt  }
0x7b: {  	_ =	shalt  }
0x7c: {  	_ =	shalt  }
0x7d: {  	_ =	shalt  }
0x7e: {  	_ =	shalt  }
0x7f: {  	_ =	shalt  }
0x80: {  	_ =	shalt  }
0x81: {  	_ =	shalt  }
0x82: {  	_ =	shalt  }
0x83: {  	_ =	shalt  }
0x84: {  	_ =	shalt  }
0x85: {  	_ =	shalt  }
0x86: {  	_ =	shalt  }
0x87: {  	_ =	shalt  }
.Lfunc_end0:
.L_simem_size_0:
called_computation_lowered:
.L_overlay_start_0:
0x88: {  	s2 =	sld [smem:$0x3FD9]  }
0x89: {  	s3 =	sld [smem:$0x3FFE];
	_ =	sdelay $0x1  }
0x8a: {  	s1 =	srdreg.scid  }
0x8b: {  	s0 =	sand.u32 $0x1, s1  }
0x8c: {  	s17 =	sshll.u32 s0, $0xA;
	s2 =	sadd.s32 s3, s2  }
0x8d: {  	s2 =	sadd.s32 s2, s17  }
0x8e: {  	[smem:$0x3FBE] =	sst s2  }
0x8f: {  	_ = 	snop  }
0x90: {  	s2 =	sld [smem:$0x3FC1];
	(tm) =	ssettm $0x1  }
0x91: {  	s18 =	sld [smem:$0x3FFB];
	_ =	sdelay $0x3  }
0x92: {  	_ =	strace s18  }
0x93: {  	s3 =	sld [smem:$0x3FFC];
	_ =	sdelay $0x3  }
0x94: {  	_ =	strace s3  }
0x95: {  	s3 =	sld [smem:$0x3FFD];
	_ =	sdelay $0x3  }
0x96: {  	_ =	strace s3  }
0x97: {  	_ =	strace $0x8FFFFFFF  }
0x98: {  	s19 =	sld [smem:$0x3FDB];
	_ =	sdelay $0x1  }
0x99: {  	s4 =	simm.s32 $_scs_section_size  }
0x9a: {  	s5 =	simm.s32 $_size__tile_overlayer_lowered;
	s6 =	simm.s32 $_tile_overlayer_lowered  }
0x9b: {  	s22 =	simm.s32 $0x1BFF;
	s21 =	sshll.u32 s6, $0x1;
	s3 =	sadd.s32 s4, s19  }
0x9c: {  	s7 =	simm.s32 $0x0;
	s20 =	sshll.u32 s5, $0x1;
	s5 =	sadd.s32 s21, s3  }
0x9d: {  	[timem:s7], [sflag:s22] =	dma.local [hbm:s5], s20  }
0x9e: {  	_ =	swait.ge [sflag:s22], s20  }
0x9f: {  	s4 =	ssub.s32 $0x0, s20;
	[sflag:s22] =	ssyncset.done $0x0  }
0xa0: {  	[sflag:s22] =	ssyncadd.s32 s4;
	_ =	sdelay $0x1  }
0xa1: {  	s23 =	simm.s32 $0x1B8B  }
0xa2: {  	_ =	swait.ge [sflag:s23], $0x1  }
0xa3: {  	[sflag:s23] =	ssyncset.done $0x0  }
0xa4: {  	s25 =	simm.s32 $0x1B8E;
	s24 =	sld [smem:$0x3FFE];
	[sflag:s23] =	ssyncadd.s32 $0xFFFFFFFF  }
0xa5: {  	s26 =	simm.s32 $execute0_lowered;
	[smem:$0x3FD2] =	sst s25  }
0xa6: {  	s5 =	sshll.u32 s26, $0x1;
	_ =	strace $0x80000046;
	[dreg:$0x1] =	wrdreg $0xFFFFFFFF  }
0xa7: {  	s28 =	simm.s32 $_size_execute0_lowered;
	s3 =	sadd.s32 s3, s5;
	[dreg:$0x0] =	wrdreg $0x0  }
0xa8: {  	s5 =	sshll.u32 s28, $0x1;
	[dreg:$0x2] =	wrdreg s3  }
0xa9: {  	[dreg:$0x3] =	wrdreg s5  }
0xaa: {  	[dreg:$0x4] =	wrdreg $0xC0  }
0xab: {  	_ =	task [dreg:s7], $0x5FFFF  }
0xac: {  	[dreg:$0x1] =	wrdreg $0xFFFFFFFF  }
0xad: {  	[dreg:$0x0] =	wrdreg $0x60  }
0xae: {  	[dreg:$0x2] =	wrdreg s2  }
0xaf: {  	[dreg:$0x3] =	wrdreg s24  }
0xb0: {  	[dreg:$0x4] =	wrdreg $0x9  }
0xb1: {  	_ =	task.clear_ibuf [dreg:s7], $0x5FFFF;
	_ =	strace $0x90000046  }
0xb2: {  	s29 =	simm.s32 $0x9;
	_ =	strace $0x80000048  }
0xb3: {  	_ =	swait.ge [sflag:s29], $0x1  }
0xb4: {  	[sflag:s29] =	ssyncadd.s32 $0xFFFFFFFF  }
0xb5: {  	_ =	strace $0x90000048  }
0xb6: {  	_ =	sfence  }
0xb7: {  	s30 =	sld [smem:$0x0];
	_ =	sdelay $0x2  }
0xb8: {  	s31 =	sshll.u32 s1, $0xD;
	s1 =	sshrl.u32 s1, $0x2  }
0xb9: {  	s3 =	sand.u32 $0x4000, s31;
	s1 =	sadd.s32 s1, s30  }
0xba: {  	s0 =	sor.u32 s3, s0;
	s1 =	sshll.u32 s1, $0x11  }
0xbb: {  	s0 =	sor.u32 s1, s0  }
0xbc: {  	s0 =	sadd.s32 $0x8F2B, s0  }
0xbd: {  	[sflag:s0] =	ssyncadd.remote.s32 $0x1  }
0xbe: {  	_ =	sfence.sel $0xFFFF  }
0xbf: {  	[dreg:$0x0] =	wrdreg $0xFFFFFFFF;
	(pc) =	sbr.abs _section_cstart, $3  }
0xc0: {  	[dreg:$0x1] =	wrdreg $0xFFFFFFFF  }
0xc1: {  	_ =	task.clear_ibuf [dreg:s7], $0x2FFFF;
	_ =	strace $0x9FFFFFFF  }
0xc2: {  	(tm) =	ssettm $0x7FFFFFFF  }
0xc3: {  	_ =	shalt  }
tec
execute0_lowered:
.L_overlay_start_1:
0x0: {  	(tag) =	ssettag $0x1  }
0x1: {  	s1 =	rddreg [dreg:$0x0]  }
0x2: {  	s4 =	rddreg [dreg:$0x1]  }
0x3: {  	s0 =	rddreg [dreg:$0x2]  }
0x4: {  	s3 =	simm.s32 $0x0;
	s5 =	srdreg.scid;
	s2 =	stileid.u32  }
0x5: {  	s18 =	simm.s32 $0x4000;
	s19 =	simm.s32 $0x0;
	[smem:$0x7FF] =	sst s3  }
0x6: {  	s5 =	sand.u32 $0x1, s5;
	s6 =	sshll.u32 s2, $0x1;
	s12 =	sadd.s32 $0x1800, s4  }
0x7: {  	s4 =	sadd.s32 $0x10, s1;
	s8 =	sadd.s32 $0x1010, s1;
	s9 =	sadd.s32 $0x1800, s1  }
0x8: {  	_ =	strace $0x80000047;
	s7 =	ssub.s32 $0x2, s5;
	s10 =	sor.u32 s5, s6  }
0x9: {  	s5 =	sadd.s32 $0x800, s1;
	s6 =	sadd.s32 $0x810, s1;
	s31 =	sshrl.u32 s7, $0x1  }
0xa: {  	s14 =	sshll.u32 s10, $0x6;
	s11 =	sshll.u32 s10, $0xE;
	s10 =	sadd.s32 $0x1810, s1  }
0xb: {  	s13 =	ssub.s32 s7, s31;
	s15 =	sor.u32 $0x20, s14;
	s7 =	sadd.s32 $0x1000, s1  }
0xc: {  	s11 =	sadd.s32 s12, s11;
	s17 =	sadd.s32 $0x40, s14;
	v0 =	vmov s14;
	s14 =	simm.s32 $0x80  }
0xd: {  	s16 =	sshll.u32 s15, $0x8;
	s13 =	smax.u32 s13, $0x1;
	v1 =	vmov s15;
	s15 =	simm.s32 $0x100  }
0xe: {  	v3 =	vimm.f32 $0.0e+00;
	v4 =	vimm.f32 $1.000000000e+00;
	v2 =	vmov s17;
	s17 =	simm.s32 $0x2000;
	s12 =	sadd.s32 s12, s16;
	s16 =	simm.s32 $0x1  }
.LBB2_1:
0xf: {  	s20 =	simm.s32 $0x0;
	s21 =	simm.s32 $0x200  }
.LBB2_2:
0x10: {  	p0 =	sne.s32 s21, $0x3FE00;
	[tilespmem:s20+$0x4070] =	vst v3  }
0x11: {  	[tilespmem:s20+$0x4000] =	vst v3  }
0x12: {  	[tilespmem:s20+$0x4010] =	vst v3  }
.Ltmp0:
0x13: {  	[tilespmem:s20+$0x4020] =	vst v3;
	(pc) =	sbr.rel @p0 .LBB2_2-.Ltmp0, $4  }
0x14: {  	[tilespmem:s20+$0x4030] =	vst v3  }
0x15: {  	[tilespmem:s20+$0x4040] =	vst v3  }
0x16: {  	[tilespmem:s20+$0x4050] =	vst v3  }
0x17: {  	[tilespmem:s20+$0x4060] =	vst v3;
	s20 =	sshra.s32 s21, $0x2;
	s21 =	sadd.s32 $0x200, s21  }
0x18: {  	[tilespmem:s20+$0x4070] =	vst v3  }
0x19: {  	[tilespmem:s20+$0x4000] =	vst v3  }
0x1a: {  	[tilespmem:s20+$0x4010] =	vst v3  }
0x1b: {  	[tilespmem:s20+$0x4020] =	vst v3  }
0x1c: {  	[tilespmem:s20+$0x4030] =	vst v3  }
0x1d: {  	[tilespmem:s20+$0x4040] =	vst v3  }
0x1e: {  	[tilespmem:s20+$0x4050] =	vst v3  }
0x1f: {  	[tilespmem:s20+$0x4060] =	vst v3;
	s20 =	simm.s32 $0x0  }
0x20: {  	[tilespmem:s20], [sflag:$0x1] =	stream.strided.gather [hbm4b:s1+s14], $0x2000, s15, s14, $0x38;
	[tilespmem:$0x14000] =	vst v63  }
0x21: {  	_ =	swait.ge [sflag:s16], $0x2000  }
0x22: {  	[sflag:s16] =	ssyncset.done $0x0  }
0x23: {  	[sflag:s16] =	ssyncadd.s32 $0xFFFFE000  }
0x24: {  	[tilespmem:s17], [sflag:$0x1] =	stream.strided.gather [hbm4b:s4+s14], $0x2000, s15, s14, $0x38;
	[tilespmem:$0x14000] =	vst v63  }
0x25: {  	_ =	swait.ge [sflag:s16], $0x2000  }
0x26: {  	[sflag:s16] =	ssyncset.done $0x0  }
0x27: {  	[sflag:s16] =	ssyncadd.s32 $0xFFFFE000  }
.LBB2_4:
0x28: {  	s21 =	sshra.s32 s20, $0x2  }
0x29: {  	v5 =	vld [tilespmem:s21+$0x2000];
	_ =	sdelay $0x1  }
0x2a: {  	v6 =	vld [tilespmem:s21+$0x0];
	_ =	sdelay $0x2  }
0x2b: {  	v7 =	vsub.s32 v5, v0  }
0x2c: {  	vm0 =	vge.s32 v5, v0;
	vm1 =	vlt.s32 v5, v1;
	v5 =	vshll.u32 v7, $0xB  }
0x2d: {  	vm0 =	vmand vm0, vm1;
	v5 =	vadd.s32 v6, v5  }
0x2e: {  	v5 =	vnsel vm0, $0x0, v5;
	_ =	sdelay $0x4  }
0x2f: {  	[tilespmem:v5+s18+$0x0] =	vst.idx.add.f32.msk vm0, v4  }
0x30: {  	v5 =	vld [tilespmem:s21+$0x2010];
	_ =	sdelay $0x1  }
0x31: {  	v6 =	vld [tilespmem:s21+$0x10];
	_ =	sdelay $0x2  }
0x32: {  	v7 =	vsub.s32 v5, v0  }
0x33: {  	vm10 =	vge.s32 v5, v0;
	vm11 =	vlt.s32 v5, v1;
	v5 =	vshll.u32 v7, $0xB  }
0x34: {  	vm0 =	vmand vm10, vm11;
	v5 =	vadd.s32 v6, v5  }
0x35: {  	v5 =	vnsel vm0, $0x0, v5;
	_ =	sdelay $0x4  }
0x36: {  	[tilespmem:v5+s18+$0x0] =	vst.idx.add.f32.msk vm0, v4  }
0x37: {  	v5 =	vld [tilespmem:s21+$0x2020];
	_ =	sdelay $0x1  }
0x38: {  	v6 =	vld [tilespmem:s21+$0x20];
	_ =	sdelay $0x2  }
0x39: {  	v7 =	vsub.s32 v5, v0  }
0x3a: {  	vm12 =	vge.s32 v5, v0;
	vm13 =	vlt.s32 v5, v1;
	v5 =	vshll.u32 v7, $0xB  }
0x3b: {  	vm0 =	vmand vm12, vm13;
	v5 =	vadd.s32 v6, v5  }
0x3c: {  	v5 =	vnsel vm0, $0x0, v5;
	_ =	sdelay $0x4  }
0x3d: {  	[tilespmem:v5+s18+$0x0] =	vst.idx.add.f32.msk vm0, v4  }
0x3e: {  	v5 =	vld [tilespmem:s21+$0x2030];
	_ =	sdelay $0x1  }
0x3f: {  	v6 =	vld [tilespmem:s21+$0x30];
	_ =	sdelay $0x2  }
0x40: {  	v7 =	vsub.s32 v5, v0  }
0x41: {  	vm14 =	vge.s32 v5, v0;
	vm15 =	vlt.s32 v5, v1;
	v5 =	vshll.u32 v7, $0xB  }
0x42: {  	vm0 =	vmand vm14, vm15;
	v5 =	vadd.s32 v6, v5  }
0x43: {  	p0 =	sne.s32 s20, $0x7F00;
	v5 =	vnsel vm0, $0x0, v5  }
.Ltmp1:
0x44: {  	_ = 	snop;
	(pc) =	sbr.rel @p0 .LBB2_4-.Ltmp1, $2  }
0x45: {  	_ =	sdelay $0x2  }
0x46: {  	s20 =	sadd.s32 $0x100, s20;
	[tilespmem:v5+s18+$0x0] =	vst.idx.add.f32.msk vm0, v4  }
0x47: {  	s20 =	simm.s32 $0x0  }
0x48: {  	[tilespmem:s20], [sflag:$0x1] =	stream.strided.gather [hbm4b:s5+s14], $0x2000, s15, s14, $0x38;
	[tilespmem:$0x14000] =	vst v63  }
0x49: {  	_ =	swait.ge [sflag:s16], $0x2000  }
0x4a: {  	[sflag:s16] =	ssyncset.done $0x0  }
0x4b: {  	[sflag:s16] =	ssyncadd.s32 $0xFFFFE000  }
0x4c: {  	[tilespmem:s17], [sflag:$0x1] =	stream.strided.gather [hbm4b:s6+s14], $0x2000, s15, s14, $0x38;
	[tilespmem:$0x14000] =	vst v63  }
0x4d: {  	_ =	swait.ge [sflag:s16], $0x2000  }
0x4e: {  	[sflag:s16] =	ssyncset.done $0x0  }
0x4f: {  	[sflag:s16] =	ssyncadd.s32 $0xFFFFE000  }
.LBB2_6:
0x50: {  	s21 =	sshra.s32 s20, $0x2  }
0x51: {  	v5 =	vld [tilespmem:s21+$0x2000];
	_ =	sdelay $0x1  }
0x52: {  	v6 =	vld [tilespmem:s21+$0x0];
	_ =	sdelay $0x2  }
0x53: {  	v7 =	vsub.s32 v5, v0  }
0x54: {  	vm0 =	vge.s32 v5, v0;
	vm1 =	vlt.s32 v5, v1;
	v5 =	vshll.u32 v7, $0xB  }
0x55: {  	vm0 =	vmand vm0, vm1;
	v5 =	vadd.s32 v6, v5  }
0x56: {  	v5 =	vnsel vm0, $0x0, v5;
	_ =	sdelay $0x4  }
0x57: {  	[tilespmem:v5+s18+$0x0] =	vst.idx.add.f32.msk vm0, v4  }
0x58: {  	v5 =	vld [tilespmem:s21+$0x2010];
	_ =	sdelay $0x1  }
0x59: {  	v6 =	vld [tilespmem:s21+$0x10];
	_ =	sdelay $0x2  }
0x5a: {  	v7 =	vsub.s32 v5, v0  }
0x5b: {  	vm10 =	vge.s32 v5, v0;
	vm11 =	vlt.s32 v5, v1;
	v5 =	vshll.u32 v7, $0xB  }
0x5c: {  	vm0 =	vmand vm10, vm11;
	v5 =	vadd.s32 v6, v5  }
0x5d: {  	v5 =	vnsel vm0, $0x0, v5;
	_ =	sdelay $0x4  }
0x5e: {  	[tilespmem:v5+s18+$0x0] =	vst.idx.add.f32.msk vm0, v4  }
0x5f: {  	v5 =	vld [tilespmem:s21+$0x2020];
	_ =	sdelay $0x1  }
0x60: {  	v6 =	vld [tilespmem:s21+$0x20];
	_ =	sdelay $0x2  }
0x61: {  	v7 =	vsub.s32 v5, v0  }
0x62: {  	vm12 =	vge.s32 v5, v0;
	vm13 =	vlt.s32 v5, v1;
	v5 =	vshll.u32 v7, $0xB  }
0x63: {  	vm0 =	vmand vm12, vm13;
	v5 =	vadd.s32 v6, v5  }
0x64: {  	v5 =	vnsel vm0, $0x0, v5;
	_ =	sdelay $0x4  }
0x65: {  	[tilespmem:v5+s18+$0x0] =	vst.idx.add.f32.msk vm0, v4  }
0x66: {  	v5 =	vld [tilespmem:s21+$0x2030];
	_ =	sdelay $0x1  }
0x67: {  	v6 =	vld [tilespmem:s21+$0x30];
	_ =	sdelay $0x2  }
0x68: {  	v7 =	vsub.s32 v5, v0  }
0x69: {  	vm14 =	vge.s32 v5, v0;
	vm15 =	vlt.s32 v5, v1;
	v5 =	vshll.u32 v7, $0xB  }
0x6a: {  	vm0 =	vmand vm14, vm15;
	v5 =	vadd.s32 v6, v5  }
0x6b: {  	p0 =	sne.s32 s20, $0x7F00;
	v5 =	vnsel vm0, $0x0, v5  }
.Ltmp2:
0x6c: {  	_ = 	snop;
	(pc) =	sbr.rel @p0 .LBB2_6-.Ltmp2, $2  }
0x6d: {  	_ =	sdelay $0x2  }
0x6e: {  	s20 =	sadd.s32 $0x100, s20;
	[tilespmem:v5+s18+$0x0] =	vst.idx.add.f32.msk vm0, v4  }
0x6f: {  	s20 =	simm.s32 $0x0  }
0x70: {  	[tilespmem:s20], [sflag:$0x1] =	stream.strided.gather [hbm4b:s7+s14], $0x2000, s15, s14, $0x38;
	[tilespmem:$0x14000] =	vst v63  }
0x71: {  	_ =	swait.ge [sflag:s16], $0x2000  }
0x72: {  	[sflag:s16] =	ssyncset.done $0x0  }
0x73: {  	[sflag:s16] =	ssyncadd.s32 $0xFFFFE000  }
0x74: {  	[tilespmem:s17], [sflag:$0x1] =	stream.strided.gather [hbm4b:s8+s14], $0x2000, s15, s14, $0x38;
	[tilespmem:$0x14000] =	vst v63  }
0x75: {  	_ =	swait.ge [sflag:s16], $0x2000  }
0x76: {  	[sflag:s16] =	ssyncset.done $0x0  }
0x77: {  	[sflag:s16] =	ssyncadd.s32 $0xFFFFE000  }
.LBB2_8:
0x78: {  	s21 =	sshra.s32 s20, $0x2  }
0x79: {  	v5 =	vld [tilespmem:s21+$0x2000];
	_ =	sdelay $0x1  }
0x7a: {  	v6 =	vld [tilespmem:s21+$0x0];
	_ =	sdelay $0x2  }
0x7b: {  	v7 =	vsub.s32 v5, v0  }
0x7c: {  	vm0 =	vge.s32 v5, v0;
	vm1 =	vlt.s32 v5, v1;
	v5 =	vshll.u32 v7, $0xB  }
0x7d: {  	vm0 =	vmand vm0, vm1;
	v5 =	vadd.s32 v6, v5  }
0x7e: {  	v5 =	vnsel vm0, $0x0, v5;
	_ =	sdelay $0x4  }
0x7f: {  	[tilespmem:v5+s18+$0x0] =	vst.idx.add.f32.msk vm0, v4  }
0x80: {  	v5 =	vld [tilespmem:s21+$0x2010];
	_ =	sdelay $0x1  }
0x81: {  	v6 =	vld [tilespmem:s21+$0x10];
	_ =	sdelay $0x2  }
0x82: {  	v7 =	vsub.s32 v5, v0  }
0x83: {  	vm10 =	vge.s32 v5, v0;
	vm11 =	vlt.s32 v5, v1;
	v5 =	vshll.u32 v7, $0xB  }
0x84: {  	vm0 =	vmand vm10, vm11;
	v5 =	vadd.s32 v6, v5  }
0x85: {  	v5 =	vnsel vm0, $0x0, v5;
	_ =	sdelay $0x4  }
0x86: {  	[tilespmem:v5+s18+$0x0] =	vst.idx.add.f32.msk vm0, v4  }
0x87: {  	v5 =	vld [tilespmem:s21+$0x2020];
	_ =	sdelay $0x1  }
0x88: {  	v6 =	vld [tilespmem:s21+$0x20];
	_ =	sdelay $0x2  }
0x89: {  	v7 =	vsub.s32 v5, v0  }
0x8a: {  	vm12 =	vge.s32 v5, v0;
	vm13 =	vlt.s32 v5, v1;
	v5 =	vshll.u32 v7, $0xB  }
0x8b: {  	vm0 =	vmand vm12, vm13;
	v5 =	vadd.s32 v6, v5  }
0x8c: {  	v5 =	vnsel vm0, $0x0, v5;
	_ =	sdelay $0x4  }
0x8d: {  	[tilespmem:v5+s18+$0x0] =	vst.idx.add.f32.msk vm0, v4  }
0x8e: {  	v5 =	vld [tilespmem:s21+$0x2030];
	_ =	sdelay $0x1  }
0x8f: {  	v6 =	vld [tilespmem:s21+$0x30];
	_ =	sdelay $0x2  }
0x90: {  	v7 =	vsub.s32 v5, v0  }
0x91: {  	vm14 =	vge.s32 v5, v0;
	vm15 =	vlt.s32 v5, v1;
	v5 =	vshll.u32 v7, $0xB  }
0x92: {  	vm0 =	vmand vm14, vm15;
	v5 =	vadd.s32 v6, v5  }
0x93: {  	p0 =	sne.s32 s20, $0x7F00;
	v5 =	vnsel vm0, $0x0, v5  }
.Ltmp3:
0x94: {  	_ = 	snop;
	(pc) =	sbr.rel @p0 .LBB2_8-.Ltmp3, $2  }
0x95: {  	_ =	sdelay $0x2  }
0x96: {  	s20 =	sadd.s32 $0x100, s20;
	[tilespmem:v5+s18+$0x0] =	vst.idx.add.f32.msk vm0, v4  }
0x97: {  	s20 =	simm.s32 $0x0  }
0x98: {  	[tilespmem:s20], [sflag:$0x1] =	stream.strided.gather [hbm4b:s9+s14], $0x2000, s15, s14, $0x38;
	[tilespmem:$0x14000] =	vst v63  }
0x99: {  	_ =	swait.ge [sflag:s16], $0x2000  }
0x9a: {  	[sflag:s16] =	ssyncset.done $0x0  }
0x9b: {  	[sflag:s16] =	ssyncadd.s32 $0xFFFFE000  }
0x9c: {  	[tilespmem:s17], [sflag:$0x1] =	stream.strided.gather [hbm4b:s10+s14], $0x2000, s15, s14, $0x38;
	[tilespmem:$0x14000] =	vst v63  }
0x9d: {  	_ =	swait.ge [sflag:s16], $0x2000  }
0x9e: {  	[sflag:s16] =	ssyncset.done $0x0  }
0x9f: {  	[sflag:s16] =	ssyncadd.s32 $0xFFFFE000  }
.LBB2_10:
0xa0: {  	s21 =	sshra.s32 s20, $0x2  }
0xa1: {  	v5 =	vld [tilespmem:s21+$0x2000];
	_ =	sdelay $0x1  }
0xa2: {  	v6 =	vld [tilespmem:s21+$0x0];
	_ =	sdelay $0x2  }
0xa3: {  	v7 =	vsub.s32 v5, v0  }
0xa4: {  	vm0 =	vge.s32 v5, v0;
	vm1 =	vlt.s32 v5, v1;
	v5 =	vshll.u32 v7, $0xB  }
0xa5: {  	vm0 =	vmand vm0, vm1;
	v5 =	vadd.s32 v6, v5  }
0xa6: {  	v5 =	vnsel vm0, $0x0, v5;
	_ =	sdelay $0x4  }
0xa7: {  	[tilespmem:v5+s18+$0x0] =	vst.idx.add.f32.msk vm0, v4  }
0xa8: {  	v5 =	vld [tilespmem:s21+$0x2010];
	_ =	sdelay $0x1  }
0xa9: {  	v6 =	vld [tilespmem:s21+$0x10];
	_ =	sdelay $0x2  }
0xaa: {  	v7 =	vsub.s32 v5, v0  }
0xab: {  	vm10 =	vge.s32 v5, v0;
	vm11 =	vlt.s32 v5, v1;
	v5 =	vshll.u32 v7, $0xB  }
0xac: {  	vm0 =	vmand vm10, vm11;
	v5 =	vadd.s32 v6, v5  }
0xad: {  	v5 =	vnsel vm0, $0x0, v5;
	_ =	sdelay $0x4  }
0xae: {  	[tilespmem:v5+s18+$0x0] =	vst.idx.add.f32.msk vm0, v4  }
0xaf: {  	v5 =	vld [tilespmem:s21+$0x2020];
	_ =	sdelay $0x1  }
0xb0: {  	v6 =	vld [tilespmem:s21+$0x20];
	_ =	sdelay $0x2  }
0xb1: {  	v7 =	vsub.s32 v5, v0  }
0xb2: {  	vm12 =	vge.s32 v5, v0;
	vm13 =	vlt.s32 v5, v1;
	v5 =	vshll.u32 v7, $0xB  }
0xb3: {  	vm0 =	vmand vm12, vm13;
	v5 =	vadd.s32 v6, v5  }
0xb4: {  	v5 =	vnsel vm0, $0x0, v5;
	_ =	sdelay $0x4  }
0xb5: {  	[tilespmem:v5+s18+$0x0] =	vst.idx.add.f32.msk vm0, v4  }
0xb6: {  	v5 =	vld [tilespmem:s21+$0x2030];
	_ =	sdelay $0x1  }
0xb7: {  	v6 =	vld [tilespmem:s21+$0x30];
	_ =	sdelay $0x2  }
0xb8: {  	v7 =	vsub.s32 v5, v0  }
0xb9: {  	vm14 =	vge.s32 v5, v0;
	vm15 =	vlt.s32 v5, v1;
	v5 =	vshll.u32 v7, $0xB  }
0xba: {  	vm0 =	vmand vm14, vm15;
	v5 =	vadd.s32 v6, v5  }
0xbb: {  	p0 =	sne.s32 s20, $0x7F00;
	v5 =	vnsel vm0, $0x0, v5  }
.Ltmp4:
0xbc: {  	_ = 	snop;
	(pc) =	sbr.rel @p0 .LBB2_10-.Ltmp4, $2  }
0xbd: {  	_ =	sdelay $0x2  }
0xbe: {  	s20 =	sadd.s32 $0x100, s20;
	[tilespmem:v5+s18+$0x0] =	vst.idx.add.f32.msk vm0, v4  }
0xbf: {  	s20 =	simm.s32 $0x0  }
0xc0: {  	[hbm4b:s11+s20] =	stream.linear.scatter [tilespmem:s18], [sflag:$0x1], $0x10000, $0x38;
	[tilespmem:$0x14000] =	vst v63  }
0xc1: {  	_ =	swait.ge [sflag:s16], $0x10000  }
0xc2: {  	[sflag:s16] =	ssyncset.done $0x0  }
0xc3: {  	s21 =	simm.s32 $0x200;
	s20 =	simm.s32 $0x0;
	[sflag:s16] =	ssyncadd.s32 $0xFFFF0000  }
.LBB2_12:
0xc4: {  	p0 =	sne.s32 s21, $0x3FE00;
	[tilespmem:s20+$0x4070] =	vst v3  }
0xc5: {  	[tilespmem:s20+$0x4000] =	vst v3  }
0xc6: {  	[tilespmem:s20+$0x4010] =	vst v3  }
.Ltmp5:
0xc7: {  	[tilespmem:s20+$0x4020] =	vst v3;
	(pc) =	sbr.rel @p0 .LBB2_12-.Ltmp5, $4  }
0xc8: {  	[tilespmem:s20+$0x4030] =	vst v3  }
0xc9: {  	[tilespmem:s20+$0x4040] =	vst v3  }
0xca: {  	[tilespmem:s20+$0x4050] =	vst v3  }
0xcb: {  	[tilespmem:s20+$0x4060] =	vst v3;
	s20 =	sshra.s32 s21, $0x2;
	s21 =	sadd.s32 $0x200, s21  }
0xcc: {  	[tilespmem:s20+$0x4070] =	vst v3  }
0xcd: {  	[tilespmem:s20+$0x4000] =	vst v3  }
0xce: {  	[tilespmem:s20+$0x4010] =	vst v3  }
0xcf: {  	[tilespmem:s20+$0x4020] =	vst v3  }
0xd0: {  	[tilespmem:s20+$0x4030] =	vst v3  }
0xd1: {  	[tilespmem:s20+$0x4040] =	vst v3  }
0xd2: {  	[tilespmem:s20+$0x4050] =	vst v3  }
0xd3: {  	[tilespmem:s20+$0x4060] =	vst v3;
	s20 =	simm.s32 $0x0  }
0xd4: {  	[tilespmem:s20], [sflag:$0x1] =	stream.strided.gather [hbm4b:s1+s14], $0x2000, s15, s14, $0x38;
	[tilespmem:$0x14000] =	vst v63  }
0xd5: {  	_ =	swait.ge [sflag:s16], $0x2000  }
0xd6: {  	[sflag:s16] =	ssyncset.done $0x0  }
0xd7: {  	[sflag:s16] =	ssyncadd.s32 $0xFFFFE000  }
0xd8: {  	[tilespmem:s17], [sflag:$0x1] =	stream.strided.gather [hbm4b:s4+s14], $0x2000, s15, s14, $0x38;
	[tilespmem:$0x14000] =	vst v63  }
0xd9: {  	_ =	swait.ge [sflag:s16], $0x2000  }
0xda: {  	[sflag:s16] =	ssyncset.done $0x0  }
0xdb: {  	[sflag:s16] =	ssyncadd.s32 $0xFFFFE000  }
.LBB2_14:
0xdc: {  	s21 =	sshra.s32 s20, $0x2  }
0xdd: {  	v5 =	vld [tilespmem:s21+$0x2000];
	_ =	sdelay $0x1  }
0xde: {  	v6 =	vld [tilespmem:s21+$0x0];
	_ =	sdelay $0x2  }
0xdf: {  	v7 =	vsub.s32 v5, v1  }
0xe0: {  	vm0 =	vge.s32 v5, v1;
	vm1 =	vlt.s32 v5, v2;
	v5 =	vshll.u32 v7, $0xB  }
0xe1: {  	vm0 =	vmand vm0, vm1;
	v5 =	vadd.s32 v6, v5  }
0xe2: {  	v5 =	vnsel vm0, $0x0, v5;
	_ =	sdelay $0x4  }
0xe3: {  	[tilespmem:v5+s18+$0x0] =	vst.idx.add.f32.msk vm0, v4  }
0xe4: {  	v5 =	vld [tilespmem:s21+$0x2010];
	_ =	sdelay $0x1  }
0xe5: {  	v6 =	vld [tilespmem:s21+$0x10];
	_ =	sdelay $0x2  }
0xe6: {  	v7 =	vsub.s32 v5, v1  }
0xe7: {  	vm10 =	vge.s32 v5, v1;
	vm11 =	vlt.s32 v5, v2;
	v5 =	vshll.u32 v7, $0xB  }
0xe8: {  	vm0 =	vmand vm10, vm11;
	v5 =	vadd.s32 v6, v5  }
0xe9: {  	v5 =	vnsel vm0, $0x0, v5;
	_ =	sdelay $0x4  }
0xea: {  	[tilespmem:v5+s18+$0x0] =	vst.idx.add.f32.msk vm0, v4  }
0xeb: {  	v5 =	vld [tilespmem:s21+$0x2020];
	_ =	sdelay $0x1  }
0xec: {  	v6 =	vld [tilespmem:s21+$0x20];
	_ =	sdelay $0x2  }
0xed: {  	v7 =	vsub.s32 v5, v1  }
0xee: {  	vm12 =	vge.s32 v5, v1;
	vm13 =	vlt.s32 v5, v2;
	v5 =	vshll.u32 v7, $0xB  }
0xef: {  	vm0 =	vmand vm12, vm13;
	v5 =	vadd.s32 v6, v5  }
0xf0: {  	v5 =	vnsel vm0, $0x0, v5;
	_ =	sdelay $0x4  }
0xf1: {  	[tilespmem:v5+s18+$0x0] =	vst.idx.add.f32.msk vm0, v4  }
0xf2: {  	v5 =	vld [tilespmem:s21+$0x2030];
	_ =	sdelay $0x1  }
0xf3: {  	v6 =	vld [tilespmem:s21+$0x30];
	_ =	sdelay $0x2  }
0xf4: {  	v7 =	vsub.s32 v5, v1  }
0xf5: {  	vm14 =	vge.s32 v5, v1;
	vm15 =	vlt.s32 v5, v2;
	v5 =	vshll.u32 v7, $0xB  }
0xf6: {  	vm0 =	vmand vm14, vm15;
	v5 =	vadd.s32 v6, v5  }
0xf7: {  	p0 =	sne.s32 s20, $0x7F00;
	v5 =	vnsel vm0, $0x0, v5  }
.Ltmp6:
0xf8: {  	_ = 	snop;
	(pc) =	sbr.rel @p0 .LBB2_14-.Ltmp6, $2  }
0xf9: {  	_ =	sdelay $0x2  }
0xfa: {  	s20 =	sadd.s32 $0x100, s20;
	[tilespmem:v5+s18+$0x0] =	vst.idx.add.f32.msk vm0, v4  }
0xfb: {  	s20 =	simm.s32 $0x0  }
0xfc: {  	[tilespmem:s20], [sflag:$0x1] =	stream.strided.gather [hbm4b:s5+s14], $0x2000, s15, s14, $0x38;
	[tilespmem:$0x14000] =	vst v63  }
0xfd: {  	_ =	swait.ge [sflag:s16], $0x2000  }
0xfe: {  	[sflag:s16] =	ssyncset.done $0x0  }
0xff: {  	[sflag:s16] =	ssyncadd.s32 $0xFFFFE000  }
0x100: {  	[tilespmem:s17], [sflag:$0x1] =	stream.strided.gather [hbm4b:s6+s14], $0x2000, s15, s14, $0x38;
	[tilespmem:$0x14000] =	vst v63  }
0x101: {  	_ =	swait.ge [sflag:s16], $0x2000  }
0x102: {  	[sflag:s16] =	ssyncset.done $0x0  }
0x103: {  	[sflag:s16] =	ssyncadd.s32 $0xFFFFE000  }
.LBB2_16:
0x104: {  	s21 =	sshra.s32 s20, $0x2  }
0x105: {  	v5 =	vld [tilespmem:s21+$0x2000];
	_ =	sdelay $0x1  }
0x106: {  	v6 =	vld [tilespmem:s21+$0x0];
	_ =	sdelay $0x2  }
0x107: {  	v7 =	vsub.s32 v5, v1  }
0x108: {  	vm0 =	vge.s32 v5, v1;
	vm1 =	vlt.s32 v5, v2;
	v5 =	vshll.u32 v7, $0xB  }
0x109: {  	vm0 =	vmand vm0, vm1;
	v5 =	vadd.s32 v6, v5  }
0x10a: {  	v5 =	vnsel vm0, $0x0, v5;
	_ =	sdelay $0x4  }
0x10b: {  	[tilespmem:v5+s18+$0x0] =	vst.idx.add.f32.msk vm0, v4  }
0x10c: {  	v5 =	vld [tilespmem:s21+$0x2010];
	_ =	sdelay $0x1  }
0x10d: {  	v6 =	vld [tilespmem:s21+$0x10];
	_ =	sdelay $0x2  }
0x10e: {  	v7 =	vsub.s32 v5, v1  }
0x10f: {  	vm10 =	vge.s32 v5, v1;
	vm11 =	vlt.s32 v5, v2;
	v5 =	vshll.u32 v7, $0xB  }
0x110: {  	vm0 =	vmand vm10, vm11;
	v5 =	vadd.s32 v6, v5  }
0x111: {  	v5 =	vnsel vm0, $0x0, v5;
	_ =	sdelay $0x4  }
0x112: {  	[tilespmem:v5+s18+$0x0] =	vst.idx.add.f32.msk vm0, v4  }
0x113: {  	v5 =	vld [tilespmem:s21+$0x2020];
	_ =	sdelay $0x1  }
0x114: {  	v6 =	vld [tilespmem:s21+$0x20];
	_ =	sdelay $0x2  }
0x115: {  	v7 =	vsub.s32 v5, v1  }
0x116: {  	vm12 =	vge.s32 v5, v1;
	vm13 =	vlt.s32 v5, v2;
	v5 =	vshll.u32 v7, $0xB  }
0x117: {  	vm0 =	vmand vm12, vm13;
	v5 =	vadd.s32 v6, v5  }
0x118: {  	v5 =	vnsel vm0, $0x0, v5;
	_ =	sdelay $0x4  }
0x119: {  	[tilespmem:v5+s18+$0x0] =	vst.idx.add.f32.msk vm0, v4  }
0x11a: {  	v5 =	vld [tilespmem:s21+$0x2030];
	_ =	sdelay $0x1  }
0x11b: {  	v6 =	vld [tilespmem:s21+$0x30];
	_ =	sdelay $0x2  }
0x11c: {  	v7 =	vsub.s32 v5, v1  }
0x11d: {  	vm14 =	vge.s32 v5, v1;
	vm15 =	vlt.s32 v5, v2;
	v5 =	vshll.u32 v7, $0xB  }
0x11e: {  	vm0 =	vmand vm14, vm15;
	v5 =	vadd.s32 v6, v5  }
0x11f: {  	p0 =	sne.s32 s20, $0x7F00;
	v5 =	vnsel vm0, $0x0, v5  }
.Ltmp7:
0x120: {  	_ = 	snop;
	(pc) =	sbr.rel @p0 .LBB2_16-.Ltmp7, $2  }
0x121: {  	_ =	sdelay $0x2  }
0x122: {  	s20 =	sadd.s32 $0x100, s20;
	[tilespmem:v5+s18+$0x0] =	vst.idx.add.f32.msk vm0, v4  }
0x123: {  	s20 =	simm.s32 $0x0  }
0x124: {  	[tilespmem:s20], [sflag:$0x1] =	stream.strided.gather [hbm4b:s7+s14], $0x2000, s15, s14, $0x38;
	[tilespmem:$0x14000] =	vst v63  }
0x125: {  	_ =	swait.ge [sflag:s16], $0x2000  }
0x126: {  	[sflag:s16] =	ssyncset.done $0x0  }
0x127: {  	[sflag:s16] =	ssyncadd.s32 $0xFFFFE000  }
0x128: {  	[tilespmem:s17], [sflag:$0x1] =	stream.strided.gather [hbm4b:s8+s14], $0x2000, s15, s14, $0x38;
	[tilespmem:$0x14000] =	vst v63  }
0x129: {  	_ =	swait.ge [sflag:s16], $0x2000  }
0x12a: {  	[sflag:s16] =	ssyncset.done $0x0  }
0x12b: {  	[sflag:s16] =	ssyncadd.s32 $0xFFFFE000  }
.LBB2_18:
0x12c: {  	s21 =	sshra.s32 s20, $0x2  }
0x12d: {  	v5 =	vld [tilespmem:s21+$0x2000];
	_ =	sdelay $0x1  }
0x12e: {  	v6 =	vld [tilespmem:s21+$0x0];
	_ =	sdelay $0x2  }
0x12f: {  	v7 =	vsub.s32 v5, v1  }
0x130: {  	vm0 =	vge.s32 v5, v1;
	vm1 =	vlt.s32 v5, v2;
	v5 =	vshll.u32 v7, $0xB  }
0x131: {  	vm0 =	vmand vm0, vm1;
	v5 =	vadd.s32 v6, v5  }
0x132: {  	v5 =	vnsel vm0, $0x0, v5;
	_ =	sdelay $0x4  }
0x133: {  	[tilespmem:v5+s18+$0x0] =	vst.idx.add.f32.msk vm0, v4  }
0x134: {  	v5 =	vld [tilespmem:s21+$0x2010];
	_ =	sdelay $0x1  }
0x135: {  	v6 =	vld [tilespmem:s21+$0x10];
	_ =	sdelay $0x2  }
0x136: {  	v7 =	vsub.s32 v5, v1  }
0x137: {  	vm10 =	vge.s32 v5, v1;
	vm11 =	vlt.s32 v5, v2;
	v5 =	vshll.u32 v7, $0xB  }
0x138: {  	vm0 =	vmand vm10, vm11;
	v5 =	vadd.s32 v6, v5  }
0x139: {  	v5 =	vnsel vm0, $0x0, v5;
	_ =	sdelay $0x4  }
0x13a: {  	[tilespmem:v5+s18+$0x0] =	vst.idx.add.f32.msk vm0, v4  }
0x13b: {  	v5 =	vld [tilespmem:s21+$0x2020];
	_ =	sdelay $0x1  }
0x13c: {  	v6 =	vld [tilespmem:s21+$0x20];
	_ =	sdelay $0x2  }
0x13d: {  	v7 =	vsub.s32 v5, v1  }
0x13e: {  	vm12 =	vge.s32 v5, v1;
	vm13 =	vlt.s32 v5, v2;
	v5 =	vshll.u32 v7, $0xB  }
0x13f: {  	vm0 =	vmand vm12, vm13;
	v5 =	vadd.s32 v6, v5  }
0x140: {  	v5 =	vnsel vm0, $0x0, v5;
	_ =	sdelay $0x4  }
0x141: {  	[tilespmem:v5+s18+$0x0] =	vst.idx.add.f32.msk vm0, v4  }
0x142: {  	v5 =	vld [tilespmem:s21+$0x2030];
	_ =	sdelay $0x1  }
0x143: {  	v6 =	vld [tilespmem:s21+$0x30];
	_ =	sdelay $0x2  }
0x144: {  	v7 =	vsub.s32 v5, v1  }
0x145: {  	vm14 =	vge.s32 v5, v1;
	vm15 =	vlt.s32 v5, v2;
	v5 =	vshll.u32 v7, $0xB  }
0x146: {  	vm0 =	vmand vm14, vm15;
	v5 =	vadd.s32 v6, v5  }
0x147: {  	p0 =	sne.s32 s20, $0x7F00;
	v5 =	vnsel vm0, $0x0, v5  }
.Ltmp8:
0x148: {  	_ = 	snop;
	(pc) =	sbr.rel @p0 .LBB2_18-.Ltmp8, $2  }
0x149: {  	_ =	sdelay $0x2  }
0x14a: {  	s20 =	sadd.s32 $0x100, s20;
	[tilespmem:v5+s18+$0x0] =	vst.idx.add.f32.msk vm0, v4  }
0x14b: {  	s20 =	simm.s32 $0x0  }
0x14c: {  	[tilespmem:s20], [sflag:$0x1] =	stream.strided.gather [hbm4b:s9+s14], $0x2000, s15, s14, $0x38;
	[tilespmem:$0x14000] =	vst v63  }
0x14d: {  	_ =	swait.ge [sflag:s16], $0x2000  }
0x14e: {  	[sflag:s16] =	ssyncset.done $0x0  }
0x14f: {  	[sflag:s16] =	ssyncadd.s32 $0xFFFFE000  }
0x150: {  	[tilespmem:s17], [sflag:$0x1] =	stream.strided.gather [hbm4b:s10+s14], $0x2000, s15, s14, $0x38;
	[tilespmem:$0x14000] =	vst v63  }
0x151: {  	_ =	swait.ge [sflag:s16], $0x2000  }
0x152: {  	[sflag:s16] =	ssyncset.done $0x0  }
0x153: {  	[sflag:s16] =	ssyncadd.s32 $0xFFFFE000  }
.LBB2_20:
0x154: {  	s21 =	sshra.s32 s20, $0x2  }
0x155: {  	v5 =	vld [tilespmem:s21+$0x2000];
	_ =	sdelay $0x1  }
0x156: {  	v6 =	vld [tilespmem:s21+$0x0];
	_ =	sdelay $0x2  }
0x157: {  	v7 =	vsub.s32 v5, v1  }
0x158: {  	vm0 =	vge.s32 v5, v1;
	vm1 =	vlt.s32 v5, v2;
	v5 =	vshll.u32 v7, $0xB  }
0x159: {  	vm0 =	vmand vm0, vm1;
	v5 =	vadd.s32 v6, v5  }
0x15a: {  	v5 =	vnsel vm0, $0x0, v5;
	_ =	sdelay $0x4  }
0x15b: {  	[tilespmem:v5+s18+$0x0] =	vst.idx.add.f32.msk vm0, v4  }
0x15c: {  	v5 =	vld [tilespmem:s21+$0x2010];
	_ =	sdelay $0x1  }
0x15d: {  	v6 =	vld [tilespmem:s21+$0x10];
	_ =	sdelay $0x2  }
0x15e: {  	v7 =	vsub.s32 v5, v1  }
0x15f: {  	vm10 =	vge.s32 v5, v1;
	vm11 =	vlt.s32 v5, v2;
	v5 =	vshll.u32 v7, $0xB  }
0x160: {  	vm0 =	vmand vm10, vm11;
	v5 =	vadd.s32 v6, v5  }
0x161: {  	v5 =	vnsel vm0, $0x0, v5;
	_ =	sdelay $0x4  }
0x162: {  	[tilespmem:v5+s18+$0x0] =	vst.idx.add.f32.msk vm0, v4  }
0x163: {  	v5 =	vld [tilespmem:s21+$0x2020];
	_ =	sdelay $0x1  }
0x164: {  	v6 =	vld [tilespmem:s21+$0x20];
	_ =	sdelay $0x2  }
0x165: {  	v7 =	vsub.s32 v5, v1  }
0x166: {  	vm12 =	vge.s32 v5, v1;
	vm13 =	vlt.s32 v5, v2;
	v5 =	vshll.u32 v7, $0xB  }
0x167: {  	vm0 =	vmand vm12, vm13;
	v5 =	vadd.s32 v6, v5  }
0x168: {  	v5 =	vnsel vm0, $0x0, v5;
	_ =	sdelay $0x4  }
0x169: {  	[tilespmem:v5+s18+$0x0] =	vst.idx.add.f32.msk vm0, v4  }
0x16a: {  	v5 =	vld [tilespmem:s21+$0x2030];
	_ =	sdelay $0x1  }
0x16b: {  	v6 =	vld [tilespmem:s21+$0x30];
	_ =	sdelay $0x2  }
0x16c: {  	v7 =	vsub.s32 v5, v1  }
0x16d: {  	vm14 =	vge.s32 v5, v1;
	vm15 =	vlt.s32 v5, v2;
	v5 =	vshll.u32 v7, $0xB  }
0x16e: {  	vm0 =	vmand vm14, vm15;
	v5 =	vadd.s32 v6, v5  }
0x16f: {  	p0 =	sne.s32 s20, $0x7F00;
	v5 =	vnsel vm0, $0x0, v5  }
.Ltmp9:
0x170: {  	_ = 	snop;
	(pc) =	sbr.rel @p0 .LBB2_20-.Ltmp9, $2  }
0x171: {  	_ =	sdelay $0x2  }
0x172: {  	s20 =	sadd.s32 $0x100, s20;
	[tilespmem:v5+s18+$0x0] =	vst.idx.add.f32.msk vm0, v4  }
0x173: {  	s19 =	sadd.s32 $0x1, s19  }
0x174: {  	p0 =	sne.s32 s19, s13  }
.Ltmp10:
0x175: {  	_ = 	snop;
	(pc) =	sbr.rel @p0 .LBB2_1-.Ltmp10, $4  }
0x176: {  	[hbm4b:s12+s3] =	stream.linear.scatter [tilespmem:s18], [sflag:$0x1], $0x10000, $0x38;
	[tilespmem:$0x14000] =	vst v63  }
0x177: {  	_ =	swait.ge [sflag:s16], $0x10000  }
0x178: {  	[sflag:s16] =	ssyncset.done $0x0  }
0x179: {  	[sflag:s16] =	ssyncadd.s32 $0xFFFF0000  }
0x17a: {  	_ =	sfence.sel $0x180000  }
0x17b: {  	[bflag:$0x0] =	sbarrier.arrive $0xFFFF  }
0x17c: {  	p0 =	sne.s32 s2, $0x0;
	_ =	strace $0x90000047  }
0x17d: {  	s0 =	sadd.s32 @!p0 $0x100000, s0;
	[bflag:$0x2] =	sbarrier.arrive $0xFFFF  }
0x17e: {  	[sflag:s0] =	ssyncadd.tile.s32 @!p0 $0x1;
	_ =	shalt  }
.Lfunc_end2:
_tile_overlayer_lowered:
.L_overlay_start_2:
0x17f: {  	(tag) =	ssettag $0x2  }
0x180: {  	s0 =	rddreg [dreg:$0x0];
	s2 =	stileid.u32  }
0x181: {  	s1 =	rddreg [dreg:$0x1];
	p0 =	sne.s32 s2, $0x0  }
0x182: {  	s3 =	rddreg [dreg:$0x2];
	[bflag:$0x3] =	sbarrier.arrive $0xFFFF;
	s2 =	simm.s32 @!p0 $0x1C01  }
0x183: {  	[timem:s3], [sflag:s2] =	dma.local @!p0 [hbm:s0], s1  }
0x184: {  	s0 =	simm.s32 @!p0 $0x1  }
0x185: {  	_ =	swait.ge @!p0 [sflag:s0], s1  }
0x186: {  	s1 =	ssub.s32 @!p0 $0x0, s1;
	[sflag:s0] =	ssyncset.done @!p0 $0x0  }
0x187: {  	[sflag:s0] =	ssyncadd.s32 @!p0 s1  }
0x188: {  	[bflag:$0x3] =	sbarrier.arrive $0xFFFF  }
0x189: {  	_ =	shalt  }

</sc_bundles>
